<compile_context>
chip_gen: v7x
topology: tpu7x:2x2x1
jax: 0.10.2.dev20260603
libtpu: 0.0.44.dev20260713+nightly
codegen_flags: <defaults>
</compile_context>

<pallas_src>
import functools
import jax
import jax.numpy as jnp
from jax import lax
from jax.experimental import pallas as pl

B = 4
N = 8192
D = 128
N_BINS = 32
BIN_SIZE = 256
K = 8
DIST_MULT = 0.1
NEG_BIG = -3.0e38

_SORT8 = [(0, 1), (2, 3), (4, 5), (6, 7), (0, 2), (1, 3), (4, 6), (5, 7),
          (1, 2), (5, 6), (0, 4), (1, 5), (2, 6), (3, 7), (2, 4), (3, 5),
          (1, 2), (3, 4), (5, 6)]


def _elu(x):
    return jnp.where(x > 0, x, jnp.exp(x) - 1.0)


def _stage_a1_body(x_ref, we1_ref, be1_ref, we2_ref, be2_ref,
                   w1a_ref, w1b_ref, be_ref,
                   emb_ref, p1_ref, p2_ref):
    x = x_ref[0]
    h1 = _elu(jnp.dot(x, we1_ref[...], preferred_element_type=jnp.float32, precision=lax.Precision.HIGHEST)
              + be1_ref[...])
    emb = jnp.dot(h1, we2_ref[...], preferred_element_type=jnp.float32, precision=lax.Precision.HIGHEST) + be2_ref[...]
    emb_ref[0] = emb
    p1_ref[0] = jnp.dot(x, w1a_ref[...], preferred_element_type=jnp.float32, precision=lax.Precision.HIGHEST) + be_ref[...]
    p2_ref[0] = jnp.dot(x, w1b_ref[...], preferred_element_type=jnp.float32, precision=lax.Precision.HIGHEST)


def _stage_a2_body(bidx_ref, pos_ref):
    bidx = bidx_ref[0]
    iota_i = lax.broadcasted_iota(jnp.int32, (N, N_BINS), 1)
    onehot = (iota_i == bidx).astype(jnp.float32)

    c = onehot
    sh = 1
    while sh < N:
        c = c + jnp.concatenate([jnp.zeros((sh, N_BINS), jnp.float32), c[:N - sh]], axis=0)
        sh *= 2
    excl = c - onehot
    counts = c[N - 1:N, :]
    tri = (lax.broadcasted_iota(jnp.int32, (N_BINS, N_BINS), 0)
           < lax.broadcasted_iota(jnp.int32, (N_BINS, N_BINS), 1)).astype(jnp.float32)
    off = jnp.dot(counts, tri, preferred_element_type=jnp.float32, precision=lax.Precision.HIGHEST)
    pos = jnp.sum(onehot * (excl + off), axis=1, keepdims=True)
    pos_ref[0] = pos.astype(jnp.int32)


def _stage_c_body(parts_ref, idx_ref, p1_ref, p2_ref, perm_ref,
                  wv_ref, w2_ref, b2_ref, out_ref):
    p = parts_ref[0]
    na = jnp.sum(p * p, axis=1, keepdims=True)
    g = lax.dot_general(p, p, (((1,), (1,)), ((), ())),
                        preferred_element_type=jnp.float32,
                        precision=lax.Precision.HIGHEST)
    nb = jnp.reshape(jnp.sum(p * p, axis=1), (1, BIN_SIZE))
    dmat = na - 2.0 * g + nb
    dmat = jnp.exp(-DIST_MULT * jnp.sqrt(jnp.maximum(dmat, 1e-6)))

    permf = perm_ref[0].astype(jnp.float32)
    iota = lax.broadcasted_iota(jnp.int32, (BIN_SIZE, BIN_SIZE), 1)
    idx8 = idx_ref[0]
    p1 = p1_ref[0]
    p2 = p2_ref[0]
    wv = wv_ref[...]
    w2 = w2_ref[...]
    b2 = b2_ref[...]

    ecols, dcols = [], []
    for t in range(K):
        onehot = iota == idx8[:, t:t + 1]
        of = onehot.astype(jnp.float32)
        vsel = jnp.sum(of * dmat, axis=1, keepdims=True)
        dst = jnp.sum(of * permf, axis=1, keepdims=True)
        e2 = jnp.dot(of, p2, preferred_element_type=jnp.float32, precision=lax.Precision.HIGHEST)
        h = _elu(p1 + e2 + vsel * wv)
        logit = jnp.dot(h, w2, preferred_element_type=jnp.float32, precision=lax.Precision.HIGHEST) + b2
        e = 1.0 / (1.0 + jnp.exp(-logit))
        ecols.append(e)
        dcols.append(dst)

    for (i, j) in _SORT8:
        sw = dcols[i] > dcols[j]
        di = jnp.where(sw, dcols[j], dcols[i])
        dj = jnp.where(sw, dcols[i], dcols[j])
        ei = jnp.where(sw, ecols[j], ecols[i])
        ej = jnp.where(sw, ecols[i], ecols[j])
        dcols[i], dcols[j] = di, dj
        ecols[i], ecols[j] = ei, ej

    out_ref[0] = jnp.concatenate(ecols + dcols, axis=1)


_A1_TILE = 1024


def _stage_a1(x, we1, be1, we2, be2, w1a, w1b, be):
    f32 = jnp.float32
    nt = (B * N) // _A1_TILE
    out_shapes = (
        jax.ShapeDtypeStruct((nt, _A1_TILE, D), f32),
        jax.ShapeDtypeStruct((nt, _A1_TILE, D), f32),
        jax.ShapeDtypeStruct((nt, _A1_TILE, D), f32),
    )
    full = lambda shape: pl.BlockSpec(shape, lambda b: tuple(0 for _ in shape))
    tile = lambda w: pl.BlockSpec((1, _A1_TILE, w), lambda b: (b, 0, 0))
    grid_spec = pl.GridSpec(
        grid=(nt,),
        in_specs=[
            tile(D),
            full((D, D)), full((1, D)), full((D, D)), full((1, D)),
            full((D, D)), full((D, D)), full((1, D)),
        ],
        out_specs=(tile(D), tile(D), tile(D)),
    )
    return pl.pallas_call(_stage_a1_body, grid_spec=grid_spec, out_shape=out_shapes)(
        x.reshape(nt, _A1_TILE, D), we1, be1, we2, be2, w1a, w1b, be)


def _stage_a2(bidx):
    grid_spec = pl.GridSpec(
        grid=(B,),
        in_specs=[pl.BlockSpec((1, N, 1), lambda b: (b, 0, 0))],
        out_specs=pl.BlockSpec((1, N, 1), lambda b: (b, 0, 0)),
    )
    return pl.pallas_call(
        _stage_a2_body, grid_spec=grid_spec,
        out_shape=jax.ShapeDtypeStruct((B, N, 1), jnp.int32),
    )(bidx)


def _stage_c(parts, idx8, p1b, p2b, permc, wv, w2, b2):
    nc = B * N_BINS
    full = lambda shape: pl.BlockSpec(shape, lambda c: tuple(0 for _ in shape))
    grid_spec = pl.GridSpec(
        grid=(nc,),
        in_specs=[
            pl.BlockSpec((1, BIN_SIZE, D), lambda c: (c, 0, 0)),
            pl.BlockSpec((1, BIN_SIZE, K), lambda c: (c, 0, 0)),
            pl.BlockSpec((1, BIN_SIZE, D), lambda c: (c, 0, 0)),
            pl.BlockSpec((1, BIN_SIZE, D), lambda c: (c, 0, 0)),
            pl.BlockSpec((1, 1, BIN_SIZE), lambda c: (c, 0, 0)),
            full((1, D)), full((D, 1)), full((1, 1)),
        ],
        out_specs=pl.BlockSpec((1, BIN_SIZE, 2 * K), lambda c: (c, 0, 0)),
    )
    return pl.pallas_call(
        _stage_c_body, grid_spec=grid_spec,
        out_shape=jax.ShapeDtypeStruct((nc, BIN_SIZE, 2 * K), jnp.float32),
    )(parts, idx8, p1b, p2b, permc, wv, w2, b2)


def kernel(inputs, W_enc1, b_enc1, W_enc2, b_enc2, W_edge1, b_edge1, W_edge2, b_edge2, R):
    r16 = R[:, : N_BINS // 2]
    w1a = W_edge1[:D]
    w1b = W_edge1[D:2 * D]
    wv = W_edge1[2 * D:2 * D + 1]
    emb, p1, p2 = _stage_a1(
        inputs, W_enc1, b_enc1[None, :], W_enc2, b_enc2[None, :],
        w1a, w1b, b_edge1[None, :])
    emb = emb.reshape(B, N, D)
    p1 = p1.reshape(B, N, D)
    p2 = p2.reshape(B, N, D)

    pe = jax.nn.elu(inputs @ W_enc1 + b_enc1) @ W_enc2 + b_enc2
    mul_dec = pe @ r16
    cmul = jnp.concatenate([mul_dec, -mul_dec], axis=-1)
    bin_idx = jnp.argmax(cmul, axis=-1).astype(jnp.int32)

    pos = _stage_a2(bin_idx[..., None])[..., 0]

    perm = jnp.argsort(pos, axis=-1).astype(jnp.int32)
    bidx = jnp.arange(B)[:, None]
    parts = emb[bidx, perm]
    p1b = p1[bidx, perm]
    p2b = p2[bidx, perm]

    def _sel(pb):
        pc = pb.reshape(N_BINS, BIN_SIZE, D)
        nsel = jnp.sum(pc ** 2, axis=-1)
        dm = nsel[:, :, None] - 2.0 * jnp.einsum('bnd,bmd->bnm', pc, pc) + nsel[:, None, :]
        dm = jnp.exp(-DIST_MULT * jnp.sqrt(jnp.maximum(dm, 1e-6)))
        _, idx = jax.lax.top_k(dm, K)
        return idx
    parts_x = pe[jnp.arange(B)[:, None], perm]
    idx8 = jax.vmap(_sel)(parts_x).astype(jnp.int32)

    packed = _stage_c(
        parts.reshape(B * N_BINS, BIN_SIZE, D),
        idx8.reshape(B * N_BINS, BIN_SIZE, K),
        p1b.reshape(B * N_BINS, BIN_SIZE, D),
        p2b.reshape(B * N_BINS, BIN_SIZE, D),
        perm.reshape(B * N_BINS, 1, BIN_SIZE),
        wv, W_edge2, b_edge2[None, :])
    packed = packed.reshape(B, N, 2 * K)

    packed_src = packed[bidx, pos]

    edge_vals = packed_src[:, :, :K].reshape(-1)
    dst = packed_src[:, :, K:].astype(jnp.int32).reshape(-1)
    bcol = jnp.repeat(jnp.arange(B, dtype=jnp.int32), N * K)
    scol = jnp.tile(jnp.repeat(jnp.arange(N, dtype=jnp.int32), K), B)
    si = jnp.stack([bcol, scol, dst], axis=1).astype(jnp.int64)
    bins = perm.reshape(B, N_BINS, BIN_SIZE)
    return edge_vals, si, bins

# --- scband reference (transcript-rebuilt; emitter-appended) ---
"""Pipeline reference for scband-sparse-hashed-nndistance-68401649156587 (READ-ONLY COPY).

The authoritative reference and input builder live on the scoring server;
editing this copy changes nothing except your own understanding.
"""

import jax, jax.numpy as jnp
import numpy as np

B = 4
N = 8192
D_IN = 128
DIST_DIM = 128
MAX_NUM_BINS = 200
BIN_SIZE = 256
K = 8
DIST_MULT = 0.1
N_BINS = N // BIN_SIZE


def setup_inputs(seed: int = 0) -> dict:
    key = jax.random.key(seed)
    ks = jax.random.split(key, 8)
    inputs = jax.random.normal(ks[0], (B, N, D_IN), dtype=jnp.float32)
    W_enc1 = jax.random.normal(ks[1], (D_IN, 128), dtype=jnp.float32) * 0.05
    b_enc1 = jnp.zeros((128,), jnp.float32)
    W_enc2 = jax.random.normal(ks[2], (128, DIST_DIM), dtype=jnp.float32) * 0.05
    b_enc2 = jnp.zeros((DIST_DIM,), jnp.float32)
    W_edge1 = jax.random.normal(ks[3], (2 * D_IN + 1, 128), dtype=jnp.float32) * 0.05
    b_edge1 = jnp.zeros((128,), jnp.float32)
    W_edge2 = jax.random.normal(ks[4], (128, 1), dtype=jnp.float32) * 0.05
    b_edge2 = jnp.zeros((1,), jnp.float32)
    R = jax.random.normal(ks[5], (DIST_DIM, MAX_NUM_BINS // 2), dtype=jnp.float32) * 0.05
    return {"inputs": inputs, "W_enc1": W_enc1, "b_enc1": b_enc1, "W_enc2": W_enc2,
            "b_enc2": b_enc2, "W_edge1": W_edge1, "b_edge1": b_edge1,
            "W_edge2": W_edge2, "b_edge2": b_edge2, "R": R}


def _per_batch(points, R):
    # construct_sparse_dm_batch for one event; points: [N, DIST_DIM]
    mul = points @ R[:, : N_BINS // 2]
    cmul = jnp.concatenate([mul, -mul], axis=-1)            # [N, N_BINS]
    bin_idx = jnp.argmax(cmul, axis=-1)
    bins_split = jnp.argsort(bin_idx).reshape(N_BINS, BIN_SIZE).astype(jnp.int32)
    parts = points[bins_split]                               # [N_BINS, BIN_SIZE, DIST_DIM]
    na = jnp.sum(parts ** 2, axis=-1)
    dmat = na[:, :, None] - 2.0 * jnp.einsum('bnd,bmd->bnm', parts, parts) + na[:, None, :]
    dmat = jnp.sqrt(jnp.maximum(dmat, 1e-6))
    dmat = jnp.exp(-DIST_MULT * dmat)
    vals, idx = jax.lax.top_k(dmat, K)                       # [N_BINS, BIN_SIZE, K]
    dst = bins_split[jnp.arange(N_BINS)[:, None, None], idx] # global dst indices
    src_flat = bins_split.reshape(-1)                        # [N]
    dst_flat = dst.reshape(-1, K)
    vals_flat = vals.reshape(-1, K)
    # TF stacks per-neighbor slices: neighbor-major ordering
    inds = jnp.stack([jnp.stack([src_flat, dst_flat[:, i]], axis=1) for i in range(K)], axis=0)
    inds = inds.reshape(-1, 2).astype(jnp.int64)             # [K*N, 2]
    v = jnp.transpose(vals_flat).reshape(-1)                 # [K*N]
    return inds, v, bins_split


def reference(inputs, W_enc1, b_enc1, W_enc2, b_enc2, W_edge1, b_edge1, W_edge2, b_edge2, R):
    point_embedding = jax.nn.elu(inputs @ W_enc1 + b_enc1) @ W_enc2 + b_enc2
    inds, vals, bins = jax.vmap(lambda p: _per_batch(p, R))(point_embedding)
    nnz = inds.shape[1]
    bcol = jnp.repeat(jnp.arange(B, dtype=jnp.int64)[:, None], nnz, axis=1)[:, :, None]
    all_inds = jnp.concatenate([bcol, inds], axis=-1).reshape(-1, 3)
    all_vals = vals.reshape(-1)
    # tf.sparse.reorder: lexicographic sort of (batch, src, dst)
    order = jnp.lexsort((all_inds[:, 2], all_inds[:, 1], all_inds[:, 0]))
    si = all_inds[order]
    sv = all_vals[order]
    x1 = inputs[si[:, 0], si[:, 1]]
    x2 = inputs[si[:, 0], si[:, 2]]
    h = jax.nn.elu(jnp.concatenate([x1, x2, sv[:, None]], axis=-1) @ W_edge1 + b_edge1)
    edge_vals = jax.nn.sigmoid(h @ W_edge2 + b_edge2)[:, 0]
    return edge_vals, si, bins

if __name__ == "__main__":
    import jax
    _d = setup_inputs()
    print(jax.jit(kernel)(*tuple(_d.values())))

</pallas_src>

<mosaic_0001>
module attributes {stable_mosaic.version = 14 : i64} {
  func.func @_stage_a2_body(%arg0: i32, %arg1: memref<1x8192x1xi32, #tpu.memory_space<vmem>>, %arg2: memref<1x8192x1xi32, #tpu.memory_space<vmem>>) attributes {dimension_semantics = [#tpu.dimension_semantics<arbitrary>], iteration_bounds = array<i64: 4>, scalar_prefetch = 0 : i64, scratch_operands = 0 : i64, tpu.core_type = #tpu.core_type<tc>, window_params = [{transform_indices = @transform_0, window_bounds = array<i64: 1, 8192, 1>}, {transform_indices = @transform_1, window_bounds = array<i64: 1, 8192, 1>}]} {
    %get3A = arith.constant 0 : index
    %get3A_0 = arith.constant 0 : index
    %get3A_1 = arith.constant 0 : index
    %get3A_2 = vector.load %arg1[%get3A, %get3A_0, %get3A_1] : memref<1x8192x1xi32, #tpu.memory_space<vmem>>, vector<1x8192x1xi32>
    %get3A_3 = vector.shape_cast %get3A_2 : vector<1x8192x1xi32> to vector<8192x1xi32>
    %iota3A = tpu.iota {dimensions = array<i32: 1>} : vector<8192x32xi32>
    %eq3A = vector.broadcast %get3A_3 : vector<8192x1xi32> to vector<8192x32xi32>
    %eq3A_4 = arith.cmpi eq, %iota3A, %eq3A : vector<8192x32xi32>
    %convert_element_type3A = arith.extui %eq3A_4 : vector<8192x32xi1> to vector<8192x32xi32>
    %convert_element_type3A_5 = arith.sitofp %convert_element_type3A : vector<8192x32xi32> to vector<8192x32xf32>
    %broadcast_in_dim3A = arith.constant 0.000000e+00 : f32
    %broadcast_in_dim3A_6 = vector.broadcast %broadcast_in_dim3A : f32 to vector<1x32xf32>
    %slice3A = vector.extract_strided_slice %convert_element_type3A_5 {offsets = [0, 0], sizes = [8191, 32], strides = [1, 1]} : vector<8192x32xf32> to vector<8191x32xf32>
    %concatenate3A = tpu.concatenate %broadcast_in_dim3A_6, %slice3A in 0 : vector<1x32xf32>, vector<8191x32xf32> -> vector<8192x32xf32>
    %add3A = arith.addf %convert_element_type3A_5, %concatenate3A : vector<8192x32xf32>
    %broadcast_in_dim3A_7 = arith.constant 0.000000e+00 : f32
    %broadcast_in_dim3A_8 = vector.broadcast %broadcast_in_dim3A_7 : f32 to vector<2x32xf32>
    %slice3A_9 = vector.extract_strided_slice %add3A {offsets = [0, 0], sizes = [8190, 32], strides = [1, 1]} : vector<8192x32xf32> to vector<8190x32xf32>
    %concatenate3A_10 = tpu.concatenate %broadcast_in_dim3A_8, %slice3A_9 in 0 : vector<2x32xf32>, vector<8190x32xf32> -> vector<8192x32xf32>
    %add3A_11 = arith.addf %add3A, %concatenate3A_10 : vector<8192x32xf32>
    %broadcast_in_dim3A_12 = arith.constant 0.000000e+00 : f32
    %broadcast_in_dim3A_13 = vector.broadcast %broadcast_in_dim3A_12 : f32 to vector<4x32xf32>
    %slice3A_14 = vector.extract_strided_slice %add3A_11 {offsets = [0, 0], sizes = [8188, 32], strides = [1, 1]} : vector<8192x32xf32> to vector<8188x32xf32>
    %concatenate3A_15 = tpu.concatenate %broadcast_in_dim3A_13, %slice3A_14 in 0 : vector<4x32xf32>, vector<8188x32xf32> -> vector<8192x32xf32>
    %add3A_16 = arith.addf %add3A_11, %concatenate3A_15 : vector<8192x32xf32>
    %broadcast_in_dim3A_17 = arith.constant 0.000000e+00 : f32
    %broadcast_in_dim3A_18 = vector.broadcast %broadcast_in_dim3A_17 : f32 to vector<8x32xf32>
    %slice3A_19 = vector.extract_strided_slice %add3A_16 {offsets = [0, 0], sizes = [8184, 32], strides = [1, 1]} : vector<8192x32xf32> to vector<8184x32xf32>
    %concatenate3A_20 = tpu.concatenate %broadcast_in_dim3A_18, %slice3A_19 in 0 : vector<8x32xf32>, vector<8184x32xf32> -> vector<8192x32xf32>
    %add3A_21 = arith.addf %add3A_16, %concatenate3A_20 : vector<8192x32xf32>
    %broadcast_in_dim3A_22 = arith.constant 0.000000e+00 : f32
    %broadcast_in_dim3A_23 = vector.broadcast %broadcast_in_dim3A_22 : f32 to vector<16x32xf32>
    %slice3A_24 = vector.extract_strided_slice %add3A_21 {offsets = [0, 0], sizes = [8176, 32], strides = [1, 1]} : vector<8192x32xf32> to vector<8176x32xf32>
    %concatenate3A_25 = tpu.concatenate %broadcast_in_dim3A_23, %slice3A_24 in 0 : vector<16x32xf32>, vector<8176x32xf32> -> vector<8192x32xf32>
    %add3A_26 = arith.addf %add3A_21, %concatenate3A_25 : vector<8192x32xf32>
    %broadcast_in_dim3A_27 = arith.constant 0.000000e+00 : f32
    %broadcast_in_dim3A_28 = vector.broadcast %broadcast_in_dim3A_27 : f32 to vector<32x32xf32>
    %slice3A_29 = vector.extract_strided_slice %add3A_26 {offsets = [0, 0], sizes = [8160, 32], strides = [1, 1]} : vector<8192x32xf32> to vector<8160x32xf32>
    %concatenate3A_30 = tpu.concatenate %broadcast_in_dim3A_28, %slice3A_29 in 0 : vector<32x32xf32>, vector<8160x32xf32> -> vector<8192x32xf32>
    %add3A_31 = arith.addf %add3A_26, %concatenate3A_30 : vector<8192x32xf32>
    %broadcast_in_dim3A_32 = arith.constant 0.000000e+00 : f32
    %broadcast_in_dim3A_33 = vector.broadcast %broadcast_in_dim3A_32 : f32 to vector<64x32xf32>
    %slice3A_34 = vector.extract_strided_slice %add3A_31 {offsets = [0, 0], sizes = [8128, 32], strides = [1, 1]} : vector<8192x32xf32> to vector<8128x32xf32>
    %concatenate3A_35 = tpu.concatenate %broadcast_in_dim3A_33, %slice3A_34 in 0 : vector<64x32xf32>, vector<8128x32xf32> -> vector<8192x32xf32>
    %add3A_36 = arith.addf %add3A_31, %concatenate3A_35 : vector<8192x32xf32>
    %broadcast_in_dim3A_37 = arith.constant 0.000000e+00 : f32
    %broadcast_in_dim3A_38 = vector.broadcast %broadcast_in_dim3A_37 : f32 to vector<128x32xf32>
    %slice3A_39 = vector.extract_strided_slice %add3A_36 {offsets = [0, 0], sizes = [8064, 32], strides = [1, 1]} : vector<8192x32xf32> to vector<8064x32xf32>
    %concatenate3A_40 = tpu.concatenate %broadcast_in_dim3A_38, %slice3A_39 in 0 : vector<128x32xf32>, vector<8064x32xf32> -> vector<8192x32xf32>
    %add3A_41 = arith.addf %add3A_36, %concatenate3A_40 : vector<8192x32xf32>
    %broadcast_in_dim3A_42 = arith.constant 0.000000e+00 : f32
    %broadcast_in_dim3A_43 = vector.broadcast %broadcast_in_dim3A_42 : f32 to vector<256x32xf32>
    %slice3A_44 = vector.extract_strided_slice %add3A_41 {offsets = [0, 0], sizes = [7936, 32], strides = [1, 1]} : vector<8192x32xf32> to vector<7936x32xf32>
    %concatenate3A_45 = tpu.concatenate %broadcast_in_dim3A_43, %slice3A_44 in 0 : vector<256x32xf32>, vector<7936x32xf32> -> vector<8192x32xf32>
    %add3A_46 = arith.addf %add3A_41, %concatenate3A_45 : vector<8192x32xf32>
    %broadcast_in_dim3A_47 = arith.constant 0.000000e+00 : f32
    %broadcast_in_dim3A_48 = vector.broadcast %broadcast_in_dim3A_47 : f32 to vector<512x32xf32>
    %slice3A_49 = vector.extract_strided_slice %add3A_46 {offsets = [0, 0], sizes = [7680, 32], strides = [1, 1]} : vector<8192x32xf32> to vector<7680x32xf32>
    %concatenate3A_50 = tpu.concatenate %broadcast_in_dim3A_48, %slice3A_49 in 0 : vector<512x32xf32>, vector<7680x32xf32> -> vector<8192x32xf32>
    %add3A_51 = arith.addf %add3A_46, %concatenate3A_50 : vector<8192x32xf32>
    %broadcast_in_dim3A_52 = arith.constant 0.000000e+00 : f32
    %broadcast_in_dim3A_53 = vector.broadcast %broadcast_in_dim3A_52 : f32 to vector<1024x32xf32>
    %slice3A_54 = vector.extract_strided_slice %add3A_51 {offsets = [0, 0], sizes = [7168, 32], strides = [1, 1]} : vector<8192x32xf32> to vector<7168x32xf32>
    %concatenate3A_55 = tpu.concatenate %broadcast_in_dim3A_53, %slice3A_54 in 0 : vector<1024x32xf32>, vector<7168x32xf32> -> vector<8192x32xf32>
    %add3A_56 = arith.addf %add3A_51, %concatenate3A_55 : vector<8192x32xf32>
    %broadcast_in_dim3A_57 = arith.constant 0.000000e+00 : f32
    %broadcast_in_dim3A_58 = vector.broadcast %broadcast_in_dim3A_57 : f32 to vector<2048x32xf32>
    %slice3A_59 = vector.extract_strided_slice %add3A_56 {offsets = [0, 0], sizes = [6144, 32], strides = [1, 1]} : vector<8192x32xf32> to vector<6144x32xf32>
    %concatenate3A_60 = tpu.concatenate %broadcast_in_dim3A_58, %slice3A_59 in 0 : vector<2048x32xf32>, vector<6144x32xf32> -> vector<8192x32xf32>
    %add3A_61 = arith.addf %add3A_56, %concatenate3A_60 : vector<8192x32xf32>
    %broadcast_in_dim3A_62 = arith.constant 0.000000e+00 : f32
    %broadcast_in_dim3A_63 = vector.broadcast %broadcast_in_dim3A_62 : f32 to vector<4096x32xf32>
    %slice3A_64 = vector.extract_strided_slice %add3A_61 {offsets = [0, 0], sizes = [4096, 32], strides = [1, 1]} : vector<8192x32xf32> to vector<4096x32xf32>
    %concatenate3A_65 = tpu.concatenate %broadcast_in_dim3A_63, %slice3A_64 in 0 : vector<4096x32xf32>, vector<4096x32xf32> -> vector<8192x32xf32>
    %add3A_66 = arith.addf %add3A_61, %concatenate3A_65 : vector<8192x32xf32>
    %sub3A = arith.subf %add3A_66, %convert_element_type3A_5 : vector<8192x32xf32>
    %slice3A_67 = vector.extract_strided_slice %add3A_66 {offsets = [8191, 0], sizes = [1, 32], strides = [1, 1]} : vector<8192x32xf32> to vector<1x32xf32>
    %iota3A_68 = tpu.iota {dimensions = array<i32: 0>} : vector<32x32xi32>
    %iota3A_69 = tpu.iota {dimensions = array<i32: 1>} : vector<32x32xi32>
    %lt3A = arith.cmpi slt, %iota3A_68, %iota3A_69 : vector<32x32xi32>
    %convert_element_type3A_70 = arith.extui %lt3A : vector<32x32xi1> to vector<32x32xi32>
    %convert_element_type3A_71 = arith.sitofp %convert_element_type3A_70 : vector<32x32xi32> to vector<32x32xf32>
    %dot_general3A = arith.constant dense<0.000000e+00> : vector<1x32xf32>
    %dot_general3A_72 = tpu.matmul %slice3A_67, %convert_element_type3A_71, %dot_general3A {dimension_numbers = #tpu.dot_dimension_numbers<[1], [0], [0], [1], [0, 0, 1, 1], [], []>, precision = #tpu.contract_precision<fp32>, transpose_lhs_hint = false} : vector<1x32xf32>, vector<32x32xf32>, vector<1x32xf32> -> vector<1x32xf32>
    %add3A_73 = vector.broadcast %dot_general3A_72 : vector<1x32xf32> to vector<8192x32xf32>
    %add3A_74 = arith.addf %sub3A, %add3A_73 : vector<8192x32xf32>
    %mul3A = arith.mulf %convert_element_type3A_5, %add3A_74 : vector<8192x32xf32>
    %reduce_sum3A = arith.constant dense<0.000000e+00> : vector<8192xf32>
    %reduce_sum3A_75 = vector.multi_reduction <add>, %mul3A, %reduce_sum3A [1] : vector<8192x32xf32> to vector<8192xf32>
    %broadcast_in_dim3A_76 = vector.shape_cast %reduce_sum3A_75 : vector<8192xf32> to vector<8192x1xf32>
    %convert_element_type3A_77 = arith.fptosi %broadcast_in_dim3A_76 : vector<8192x1xf32> to vector<8192x1xi32>
    %swap3A = arith.constant 0 : index
    %swap3A_78 = arith.constant 0 : index
    %swap3A_79 = arith.constant 0 : index
    %swap3A_80 = vector.load %arg2[%swap3A, %swap3A_78, %swap3A_79] : memref<1x8192x1xi32, #tpu.memory_space<vmem>>, vector<1x8192x1xi32>
    %swap3A_81 = vector.shape_cast %swap3A_80 : vector<1x8192x1xi32> to vector<8192x1xi32>
    %swap3A_82 = vector.shape_cast %convert_element_type3A_77 : vector<8192x1xi32> to vector<1x8192x1xi32>
    tpu.vector_store %arg2[%swap3A, %swap3A_78, %swap3A_79], %swap3A_82 {strides = array<i32>} : memref<1x8192x1xi32, #tpu.memory_space<vmem>>, vector<1x8192x1xi32>,
    return
  }
  func.func @transform_0(%arg0: i32) -> (i32, i32, i32) {
    %c0_i32 = arith.constant 0 : i32
    %c0_i32_0 = arith.constant 0 : i32
    %c0_i32_1 = arith.constant 0 : i32
    return %arg0, %c0_i32, %c0_i32_0 : i32, i32, i32
  }
  func.func @transform_1(%arg0: i32) -> (i32, i32, i32) {
    %c0_i32 = arith.constant 0 : i32
    %c0_i32_0 = arith.constant 0 : i32
    %c0_i32_1 = arith.constant 0 : i32
    return %arg0, %c0_i32, %c0_i32_0 : i32, i32, i32
  }
}

module attributes {stable_mosaic.version = 14 : i64} {
  func.func @_stage_a1_body(%arg0: i32, %arg1: memref<1x1024x128xf32, #tpu.memory_space<vmem>>, %arg2: memref<128x128xf32, #tpu.memory_space<vmem>>, %arg3: memref<1x128xf32, #tpu.memory_space<vmem>>, %arg4: memref<128x128xf32, #tpu.memory_space<vmem>>, %arg5: memref<1x128xf32, #tpu.memory_space<vmem>>, %arg6: memref<128x128xf32, #tpu.memory_space<vmem>>, %arg7: memref<128x128xf32, #tpu.memory_space<vmem>>, %arg8: memref<1x128xf32, #tpu.memory_space<vmem>>, %arg9: memref<1x1024x128xf32, #tpu.memory_space<vmem>>, %arg10: memref<1x1024x128xf32, #tpu.memory_space<vmem>>, %arg11: memref<1x1024x128xf32, #tpu.memory_space<vmem>>) attributes {dimension_semantics = [#tpu.dimension_semantics<arbitrary>], iteration_bounds = array<i64: 32>, scalar_prefetch = 0 : i64, scratch_operands = 0 : i64, tpu.core_type = #tpu.core_type<tc>, window_params = [{transform_indices = @transform_0, window_bounds = array<i64: 1, 1024, 128>}, {pipeline_mode = #tpu.pipeline_mode<synchronous>, transform_indices = @transform_1, window_bounds = array<i64: 128, 128>}, {pipeline_mode = #tpu.pipeline_mode<synchronous>, transform_indices = @transform_2, window_bounds = array<i64: 1, 128>}, {pipeline_mode = #tpu.pipeline_mode<synchronous>, transform_indices = @transform_3, window_bounds = array<i64: 128, 128>}, {pipeline_mode = #tpu.pipeline_mode<synchronous>, transform_indices = @transform_4, window_bounds = array<i64: 1, 128>}, {pipeline_mode = #tpu.pipeline_mode<synchronous>, transform_indices = @transform_5, window_bounds = array<i64: 128, 128>}, {pipeline_mode = #tpu.pipeline_mode<synchronous>, transform_indices = @transform_6, window_bounds = array<i64: 128, 128>}, {pipeline_mode = #tpu.pipeline_mode<synchronous>, transform_indices = @transform_7, window_bounds = array<i64: 1, 128>}, {transform_indices = @transform_8, window_bounds = array<i64: 1, 1024, 128>}, {transform_indices = @transform_9, window_bounds = array<i64: 1, 1024, 128>}, {transform_indices = @transform_10, window_bounds = array<i64: 1, 1024, 128>}]} {
    %get3A = arith.constant 0 : index
    %get3A_0 = arith.constant 0 : index
    %get3A_1 = arith.constant 0 : index
    %get3A_2 = vector.load %arg1[%get3A, %get3A_0, %get3A_1] : memref<1x1024x128xf32, #tpu.memory_space<vmem>>, vector<1x1024x128xf32>
    %get3A_3 = vector.shape_cast %get3A_2 : vector<1x1024x128xf32> to vector<1024x128xf32>
    %get3A_4 = arith.constant 0 : index
    %get3A_5 = arith.constant 0 : index
    %get3A_6 = vector.load %arg2[%get3A_4, %get3A_5] : memref<128x128xf32, #tpu.memory_space<vmem>>, vector<128x128xf32>
    %dot_general3A = arith.constant dense<0.000000e+00> : vector<1024x128xf32>
    %dot_general3A_7 = tpu.matmul %get3A_3, %get3A_6, %dot_general3A {dimension_numbers = #tpu.dot_dimension_numbers<[1], [0], [0], [1], [0, 0, 1, 1], [], []>, precision = #tpu.contract_precision<fp32>, transpose_lhs_hint = false} : vector<1024x128xf32>, vector<128x128xf32>, vector<1024x128xf32> -> vector<1024x128xf32>
    %get3A_8 = arith.constant 0 : index
    %get3A_9 = arith.constant 0 : index
    %get3A_10 = vector.load %arg3[%get3A_8, %get3A_9] : memref<1x128xf32, #tpu.memory_space<vmem>>, vector<1x128xf32>
    %add3A = vector.broadcast %get3A_10 : vector<1x128xf32> to vector<1024x128xf32>
    %add3A_11 = arith.addf %dot_general3A_7, %add3A : vector<1024x128xf32>
    %gt3A = arith.constant 0.000000e+00 : f32
    %gt3A_12 = vector.broadcast %gt3A : f32 to vector<1024x128xf32>
    %gt3A_13 = arith.cmpf ogt, %add3A_11, %gt3A_12 : vector<1024x128xf32>
    %exp3A = math.exp %add3A_11 : vector<1024x128xf32>
    %sub3A = arith.constant 1.000000e+00 : f32
    %sub3A_14 = vector.broadcast %sub3A : f32 to vector<1024x128xf32>
    %sub3A_15 = arith.subf %exp3A, %sub3A_14 : vector<1024x128xf32>
    %select_n3A = arith.select %gt3A_13, %add3A_11, %sub3A_15 : vector<1024x128xi1>, vector<1024x128xf32>
    %get3A_16 = arith.constant 0 : index
    %get3A_17 = arith.constant 0 : index
    %get3A_18 = vector.load %arg4[%get3A_16, %get3A_17] : memref<128x128xf32, #tpu.memory_space<vmem>>, vector<128x128xf32>
    %dot_general3A_19 = arith.constant dense<0.000000e+00> : vector<1024x128xf32>
    %dot_general3A_20 = tpu.matmul %select_n3A, %get3A_18, %dot_general3A_19 {dimension_numbers = #tpu.dot_dimension_numbers<[1], [0], [0], [1], [0, 0, 1, 1], [], []>, precision = #tpu.contract_precision<fp32>, transpose_lhs_hint = false} : vector<1024x128xf32>, vector<128x128xf32>, vector<1024x128xf32> -> vector<1024x128xf32>
    %get3A_21 = arith.constant 0 : index
    %get3A_22 = arith.constant 0 : index
    %get3A_23 = vector.load %arg5[%get3A_21, %get3A_22] : memref<1x128xf32, #tpu.memory_space<vmem>>, vector<1x128xf32>
    %add3A_24 = vector.broadcast %get3A_23 : vector<1x128xf32> to vector<1024x128xf32>
    %add3A_25 = arith.addf %dot_general3A_20, %add3A_24 : vector<1024x128xf32>
    %swap3A = arith.constant 0 : index
    %swap3A_26 = arith.constant 0 : index
    %swap3A_27 = arith.constant 0 : index
    %swap3A_28 = vector.load %arg9[%swap3A, %swap3A_26, %swap3A_27] : memref<1x1024x128xf32, #tpu.memory_space<vmem>>, vector<1x1024x128xf32>
    %swap3A_29 = vector.shape_cast %swap3A_28 : vector<1x1024x128xf32> to vector<1024x128xf32>
    %swap3A_30 = vector.shape_cast %add3A_25 : vector<1024x128xf32> to vector<1x1024x128xf32>
    tpu.vector_store %arg9[%swap3A, %swap3A_26, %swap3A_27], %swap3A_30 {strides = array<i32>} : memref<1x1024x128xf32, #tpu.memory_space<vmem>>, vector<1x1024x128xf32>,
    %get3A_31 = arith.constant 0 : index
    %get3A_32 = arith.constant 0 : index
    %get3A_33 = vector.load %arg6[%get3A_31, %get3A_32] : memref<128x128xf32, #tpu.memory_space<vmem>>, vector<128x128xf32>
    %dot_general3A_34 = arith.constant dense<0.000000e+00> : vector<1024x128xf32>
    %dot_general3A_35 = tpu.matmul %get3A_3, %get3A_33, %dot_general3A_34 {dimension_numbers = #tpu.dot_dimension_numbers<[1], [0], [0], [1], [0, 0, 1, 1], [], []>, precision = #tpu.contract_precision<fp32>, transpose_lhs_hint = false} : vector<1024x128xf32>, vector<128x128xf32>, vector<1024x128xf32> -> vector<1024x128xf32>
    %get3A_36 = arith.constant 0 : index
    %get3A_37 = arith.constant 0 : index
    %get3A_38 = vector.load %arg8[%get3A_36, %get3A_37] : memref<1x128xf32, #tpu.memory_space<vmem>>, vector<1x128xf32>
    %add3A_39 = vector.broadcast %get3A_38 : vector<1x128xf32> to vector<1024x128xf32>
    %add3A_40 = arith.addf %dot_general3A_35, %add3A_39 : vector<1024x128xf32>
    %swap3A_41 = arith.constant 0 : index
    %swap3A_42 = arith.constant 0 : index
    %swap3A_43 = arith.constant 0 : index
    %swap3A_44 = vector.load %arg10[%swap3A_41, %swap3A_42, %swap3A_43] : memref<1x1024x128xf32, #tpu.memory_space<vmem>>, vector<1x1024x128xf32>
    %swap3A_45 = vector.shape_cast %swap3A_44 : vector<1x1024x128xf32> to vector<1024x128xf32>
    %swap3A_46 = vector.shape_cast %add3A_40 : vector<1024x128xf32> to vector<1x1024x128xf32>
    tpu.vector_store %arg10[%swap3A_41, %swap3A_42, %swap3A_43], %swap3A_46 {strides = array<i32>} : memref<1x1024x128xf32, #tpu.memory_space<vmem>>, vector<1x1024x128xf32>,
    %get3A_47 = arith.constant 0 : index
    %get3A_48 = arith.constant 0 : index
    %get3A_49 = vector.load %arg7[%get3A_47, %get3A_48] : memref<128x128xf32, #tpu.memory_space<vmem>>, vector<128x128xf32>
    %dot_general3A_50 = arith.constant dense<0.000000e+00> : vector<1024x128xf32>
    %dot_general3A_51 = tpu.matmul %get3A_3, %get3A_49, %dot_general3A_50 {dimension_numbers = #tpu.dot_dimension_numbers<[1], [0], [0], [1], [0, 0, 1, 1], [], []>, precision = #tpu.contract_precision<fp32>, transpose_lhs_hint = false} : vector<1024x128xf32>, vector<128x128xf32>, vector<1024x128xf32> -> vector<1024x128xf32>
    %swap3A_52 = arith.constant 0 : index
    %swap3A_53 = arith.constant 0 : index
    %swap3A_54 = arith.constant 0 : index
    %swap3A_55 = vector.load %arg11[%swap3A_52, %swap3A_53, %swap3A_54] : memref<1x1024x128xf32, #tpu.memory_space<vmem>>, vector<1x1024x128xf32>
    %swap3A_56 = vector.shape_cast %swap3A_55 : vector<1x1024x128xf32> to vector<1024x128xf32>
    %swap3A_57 = vector.shape_cast %dot_general3A_51 : vector<1024x128xf32> to vector<1x1024x128xf32>
    tpu.vector_store %arg11[%swap3A_52, %swap3A_53, %swap3A_54], %swap3A_57 {strides = array<i32>} : memref<1x1024x128xf32, #tpu.memory_space<vmem>>, vector<1x1024x128xf32>,
    return
  }
  func.func @transform_0(%arg0: i32) -> (i32, i32, i32) {
    %c0_i32 = arith.constant 0 : i32
    %c0_i32_0 = arith.constant 0 : i32
    %c0_i32_1 = arith.constant 0 : i32
    return %arg0, %c0_i32, %c0_i32_0 : i32, i32, i32
  }
  func.func @transform_1(%arg0: i32) -> (i32, i32) {
    %c0_i32 = arith.constant 0 : i32
    %c0_i32_0 = arith.constant 0 : i32
    %c0_i32_1 = arith.constant 0 : i32
    return %c0_i32, %c0_i32_0 : i32, i32
  }
  func.func @transform_2(%arg0: i32) -> (i32, i32) {
    %c0_i32 = arith.constant 0 : i32
    %c0_i32_0 = arith.constant 0 : i32
    %c0_i32_1 = arith.constant 0 : i32
    return %c0_i32, %c0_i32_0 : i32, i32
  }
  func.func @transform_3(%arg0: i32) -> (i32, i32) {
    %c0_i32 = arith.constant 0 : i32
    %c0_i32_0 = arith.constant 0 : i32
    %c0_i32_1 = arith.constant 0 : i32
    return %c0_i32, %c0_i32_0 : i32, i32
  }
  func.func @transform_4(%arg0: i32) -> (i32, i32) {
    %c0_i32 = arith.constant 0 : i32
    %c0_i32_0 = arith.constant 0 : i32
    %c0_i32_1 = arith.constant 0 : i32
    return %c0_i32, %c0_i32_0 : i32, i32
  }
  func.func @transform_5(%arg0: i32) -> (i32, i32) {
    %c0_i32 = arith.constant 0 : i32
    %c0_i32_0 = arith.constant 0 : i32
    %c0_i32_1 = arith.constant 0 : i32
    return %c0_i32, %c0_i32_0 : i32, i32
  }
  func.func @transform_6(%arg0: i32) -> (i32, i32) {
    %c0_i32 = arith.constant 0 : i32
    %c0_i32_0 = arith.constant 0 : i32
    %c0_i32_1 = arith.constant 0 : i32
    return %c0_i32, %c0_i32_0 : i32, i32
  }
  func.func @transform_7(%arg0: i32) -> (i32, i32) {
    %c0_i32 = arith.constant 0 : i32
    %c0_i32_0 = arith.constant 0 : i32
    %c0_i32_1 = arith.constant 0 : i32
    return %c0_i32, %c0_i32_0 : i32, i32
  }
  func.func @transform_8(%arg0: i32) -> (i32, i32, i32) {
    %c0_i32 = arith.constant 0 : i32
    %c0_i32_0 = arith.constant 0 : i32
    %c0_i32_1 = arith.constant 0 : i32
    return %arg0, %c0_i32, %c0_i32_0 : i32, i32, i32
  }
  func.func @transform_9(%arg0: i32) -> (i32, i32, i32) {
    %c0_i32 = arith.constant 0 : i32
    %c0_i32_0 = arith.constant 0 : i32
    %c0_i32_1 = arith.constant 0 : i32
    return %arg0, %c0_i32, %c0_i32_0 : i32, i32, i32
  }
  func.func @transform_10(%arg0: i32) -> (i32, i32, i32) {
    %c0_i32 = arith.constant 0 : i32
    %c0_i32_0 = arith.constant 0 : i32
    %c0_i32_1 = arith.constant 0 : i32
    return %arg0, %c0_i32, %c0_i32_0 : i32, i32, i32
  }
}

module attributes {stable_mosaic.version = 14 : i64} {
  func.func @_stage_c_body(%arg0: i32, %arg1: memref<1x256x128xf32, #tpu.memory_space<vmem>>, %arg2: memref<1x256x8xi32, #tpu.memory_space<vmem>>, %arg3: memref<1x256x128xf32, #tpu.memory_space<vmem>>, %arg4: memref<1x256x128xf32, #tpu.memory_space<vmem>>, %arg5: memref<1x1x256xi32, #tpu.memory_space<vmem>>, %arg6: memref<1x128xf32, #tpu.memory_space<vmem>>, %arg7: memref<128x1xf32, #tpu.memory_space<vmem>>, %arg8: memref<1x1xf32, #tpu.memory_space<vmem>>, %arg9: memref<1x256x16xf32, #tpu.memory_space<vmem>>) attributes {dimension_semantics = [#tpu.dimension_semantics<arbitrary>], iteration_bounds = array<i64: 128>, scalar_prefetch = 0 : i64, scratch_operands = 0 : i64, tpu.core_type = #tpu.core_type<tc>, window_params = [{transform_indices = @transform_0, window_bounds = array<i64: 1, 256, 128>}, {transform_indices = @transform_1, window_bounds = array<i64: 1, 256, 8>}, {transform_indices = @transform_2, window_bounds = array<i64: 1, 256, 128>}, {transform_indices = @transform_3, window_bounds = array<i64: 1, 256, 128>}, {transform_indices = @transform_4, window_bounds = array<i64: 1, 1, 256>}, {pipeline_mode = #tpu.pipeline_mode<synchronous>, transform_indices = @transform_5, window_bounds = array<i64: 1, 128>}, {pipeline_mode = #tpu.pipeline_mode<synchronous>, transform_indices = @transform_6, window_bounds = array<i64: 128, 1>}, {pipeline_mode = #tpu.pipeline_mode<synchronous>, transform_indices = @transform_7, window_bounds = array<i64: 1, 1>}, {transform_indices = @transform_8, window_bounds = array<i64: 1, 256, 16>}]} {
    %get3A = arith.constant 0 : index
    %get3A_0 = arith.constant 0 : index
    %get3A_1 = arith.constant 0 : index
    %get3A_2 = vector.load %arg1[%get3A, %get3A_0, %get3A_1] : memref<1x256x128xf32, #tpu.memory_space<vmem>>, vector<1x256x128xf32>
    %get3A_3 = vector.shape_cast %get3A_2 : vector<1x256x128xf32> to vector<256x128xf32>
    %mul3A = arith.mulf %get3A_3, %get3A_3 : vector<256x128xf32>
    %reduce_sum3A = arith.constant dense<0.000000e+00> : vector<256xf32>
    %reduce_sum3A_4 = vector.multi_reduction <add>, %mul3A, %reduce_sum3A [1] : vector<256x128xf32> to vector<256xf32>
    %broadcast_in_dim3A = vector.shape_cast %reduce_sum3A_4 : vector<256xf32> to vector<256x1xf32>
    %dot_general3A = arith.constant dense<0.000000e+00> : vector<256x256xf32>
    %dot_general3A_5 = tpu.matmul %get3A_3, %get3A_3, %dot_general3A {dimension_numbers = #tpu.dot_dimension_numbers<[1], [1], [0], [0], [0, 0, 1, 0], [], []>, precision = #tpu.contract_precision<fp32>, transpose_lhs_hint = false} : vector<256x128xf32>, vector<256x128xf32>, vector<256x256xf32> -> vector<256x256xf32>
    %mul3A_6 = arith.mulf %get3A_3, %get3A_3 : vector<256x128xf32>
    %reduce_sum3A_7 = arith.constant dense<0.000000e+00> : vector<256xf32>
    %reduce_sum3A_8 = vector.multi_reduction <add>, %mul3A_6, %reduce_sum3A_7 [1] : vector<256x128xf32> to vector<256xf32>
    %reshape3A = vector.shape_cast %reduce_sum3A_8 : vector<256xf32> to vector<1x256xf32>
    %mul3A_9 = arith.constant 2.000000e+00 : f32
    %mul3A_10 = vector.broadcast %mul3A_9 : f32 to vector<256x256xf32>
    %mul3A_11 = arith.mulf %mul3A_10, %dot_general3A_5 : vector<256x256xf32>
    %sub3A = vector.broadcast %broadcast_in_dim3A : vector<256x1xf32> to vector<256x256xf32>
    %sub3A_12 = arith.subf %sub3A, %mul3A_11 : vector<256x256xf32>
    %add3A = vector.broadcast %reshape3A : vector<1x256xf32> to vector<256x256xf32>
    %add3A_13 = arith.addf %sub3A_12, %add3A : vector<256x256xf32>
    %max3A = arith.constant 9.99999997E-7 : f32
    %max3A_14 = vector.broadcast %max3A : f32 to vector<256x256xf32>
    %max3A_15 = arith.maximumf %add3A_13, %max3A_14 : vector<256x256xf32>
    %sqrt3A = math.sqrt %max3A_15 : vector<256x256xf32>
    %mul3A_16 = arith.constant -1.000000e-01 : f32
    %mul3A_17 = vector.broadcast %mul3A_16 : f32 to vector<256x256xf32>
    %mul3A_18 = arith.mulf %mul3A_17, %sqrt3A : vector<256x256xf32>
    %exp3A = math.exp %mul3A_18 : vector<256x256xf32>
    %get3A_19 = arith.constant 0 : index
    %get3A_20 = arith.constant 0 : index
    %get3A_21 = arith.constant 0 : index
    %get3A_22 = vector.load %arg5[%get3A_19, %get3A_20, %get3A_21] : memref<1x1x256xi32, #tpu.memory_space<vmem>>, vector<1x1x256xi32>
    %get3A_23 = vector.shape_cast %get3A_22 : vector<1x1x256xi32> to vector<1x256xi32>
    %convert_element_type3A = arith.sitofp %get3A_23 : vector<1x256xi32> to vector<1x256xf32>
    %iota3A = tpu.iota {dimensions = array<i32: 1>} : vector<256x256xi32>
    %get3A_24 = arith.constant 0 : index
    %get3A_25 = arith.constant 0 : index
    %get3A_26 = arith.constant 0 : index
    %get3A_27 = vector.load %arg2[%get3A_24, %get3A_25, %get3A_26] : memref<1x256x8xi32, #tpu.memory_space<vmem>>, vector<1x256x8xi32>
    %get3A_28 = vector.shape_cast %get3A_27 : vector<1x256x8xi32> to vector<256x8xi32>
    %get3A_29 = arith.constant 0 : index
    %get3A_30 = arith.constant 0 : index
    %get3A_31 = arith.constant 0 : index
    %get3A_32 = vector.load %arg3[%get3A_29, %get3A_30, %get3A_31] : memref<1x256x128xf32, #tpu.memory_space<vmem>>, vector<1x256x128xf32>
    %get3A_33 = vector.shape_cast %get3A_32 : vector<1x256x128xf32> to vector<256x128xf32>
    %get3A_34 = arith.constant 0 : index
    %get3A_35 = arith.constant 0 : index
    %get3A_36 = arith.constant 0 : index
    %get3A_37 = vector.load %arg4[%get3A_34, %get3A_35, %get3A_36] : memref<1x256x128xf32, #tpu.memory_space<vmem>>, vector<1x256x128xf32>
    %get3A_38 = vector.shape_cast %get3A_37 : vector<1x256x128xf32> to vector<256x128xf32>
    %get3A_39 = arith.constant 0 : index
    %get3A_40 = arith.constant 0 : index
    %get3A_41 = vector.load %arg6[%get3A_39, %get3A_40] : memref<1x128xf32, #tpu.memory_space<vmem>>, vector<1x128xf32>
    %get3A_42 = arith.constant 0 : index
    %get3A_43 = arith.constant 0 : index
    %get3A_44 = vector.load %arg7[%get3A_42, %get3A_43] : memref<128x1xf32, #tpu.memory_space<vmem>>, vector<128x1xf32>
    %get3A_45 = arith.constant 0 : index
    %get3A_46 = arith.constant 0 : index
    %get3A_47 = vector.load %arg8[%get3A_45, %get3A_46] : memref<1x1xf32, #tpu.memory_space<vmem>>, vector<1x1xf32>
    %slice3A = vector.extract_strided_slice %get3A_28 {offsets = [0, 0], sizes = [256, 1], strides = [1, 1]} : vector<256x8xi32> to vector<256x1xi32>
    %eq3A = vector.broadcast %slice3A : vector<256x1xi32> to vector<256x256xi32>
    %eq3A_48 = arith.cmpi eq, %iota3A, %eq3A : vector<256x256xi32>
    %convert_element_type3A_49 = arith.extui %eq3A_48 : vector<256x256xi1> to vector<256x256xi32>
    %convert_element_type3A_50 = arith.sitofp %convert_element_type3A_49 : vector<256x256xi32> to vector<256x256xf32>
    %mul3A_51 = arith.mulf %convert_element_type3A_50, %exp3A : vector<256x256xf32>
    %reduce_sum3A_52 = arith.constant dense<0.000000e+00> : vector<256xf32>
    %reduce_sum3A_53 = vector.multi_reduction <add>, %mul3A_51, %reduce_sum3A_52 [1] : vector<256x256xf32> to vector<256xf32>
    %broadcast_in_dim3A_54 = vector.shape_cast %reduce_sum3A_53 : vector<256xf32> to vector<256x1xf32>
    %mul3A_55 = vector.broadcast %convert_element_type3A : vector<1x256xf32> to vector<256x256xf32>
    %mul3A_56 = arith.mulf %convert_element_type3A_50, %mul3A_55 : vector<256x256xf32>
    %reduce_sum3A_57 = arith.constant dense<0.000000e+00> : vector<256xf32>
    %reduce_sum3A_58 = vector.multi_reduction <add>, %mul3A_56, %reduce_sum3A_57 [1] : vector<256x256xf32> to vector<256xf32>
    %broadcast_in_dim3A_59 = vector.shape_cast %reduce_sum3A_58 : vector<256xf32> to vector<256x1xf32>
    %dot_general3A_60 = arith.constant dense<0.000000e+00> : vector<256x128xf32>
    %dot_general3A_61 = tpu.matmul %convert_element_type3A_50, %get3A_38, %dot_general3A_60 {dimension_numbers = #tpu.dot_dimension_numbers<[1], [0], [0], [1], [0, 0, 1, 1], [], []>, precision = #tpu.contract_precision<fp32>, transpose_lhs_hint = false} : vector<256x256xf32>, vector<256x128xf32>, vector<256x128xf32> -> vector<256x128xf32>
    %add3A_62 = arith.addf %get3A_33, %dot_general3A_61 : vector<256x128xf32>
    %mul3A_63 = vector.broadcast %broadcast_in_dim3A_54 : vector<256x1xf32> to vector<256x128xf32>
    %mul3A_64 = vector.broadcast %get3A_41 : vector<1x128xf32> to vector<256x128xf32>
    %mul3A_65 = arith.mulf %mul3A_63, %mul3A_64 : vector<256x128xf32>
    %add3A_66 = arith.addf %add3A_62, %mul3A_65 : vector<256x128xf32>
    %gt3A = arith.constant 0.000000e+00 : f32
    %gt3A_67 = vector.broadcast %gt3A : f32 to vector<256x128xf32>
    %gt3A_68 = arith.cmpf ogt, %add3A_66, %gt3A_67 : vector<256x128xf32>
    %exp3A_69 = math.exp %add3A_66 : vector<256x128xf32>
    %sub3A_70 = arith.constant 1.000000e+00 : f32
    %sub3A_71 = vector.broadcast %sub3A_70 : f32 to vector<256x128xf32>
    %sub3A_72 = arith.subf %exp3A_69, %sub3A_71 : vector<256x128xf32>
    %select_n3A = arith.select %gt3A_68, %add3A_66, %sub3A_72 : vector<256x128xi1>, vector<256x128xf32>
    %dot_general3A_73 = arith.constant dense<0.000000e+00> : vector<256x1xf32>
    %dot_general3A_74 = tpu.matmul %select_n3A, %get3A_44, %dot_general3A_73 {dimension_numbers = #tpu.dot_dimension_numbers<[1], [0], [0], [1], [0, 0, 1, 1], [], []>, precision = #tpu.contract_precision<fp32>, transpose_lhs_hint = false} : vector<256x128xf32>, vector<128x1xf32>, vector<256x1xf32> -> vector<256x1xf32>
    %add3A_75 = vector.broadcast %get3A_47 : vector<1x1xf32> to vector<256x1xf32>
    %add3A_76 = arith.addf %dot_general3A_74, %add3A_75 : vector<256x1xf32>
    %neg3A = arith.constant 0.000000e+00 : f32
    %neg3A_77 = vector.broadcast %neg3A : f32 to vector<256x1xf32>
    %neg3A_78 = arith.subf %neg3A_77, %add3A_76 : vector<256x1xf32>
    %exp3A_79 = math.exp %neg3A_78 : vector<256x1xf32>
    %add3A_80 = arith.constant 1.000000e+00 : f32
    %add3A_81 = vector.broadcast %add3A_80 : f32 to vector<256x1xf32>
    %add3A_82 = arith.addf %add3A_81, %exp3A_79 : vector<256x1xf32>
    %div3A = arith.constant 1.000000e+00 : f32
    %div3A_83 = vector.broadcast %div3A : f32 to vector<256x1xf32>
    %div3A_84 = arith.divf %div3A_83, %add3A_82 : vector<256x1xf32>
    %slice3A_85 = vector.extract_strided_slice %get3A_28 {offsets = [0, 1], sizes = [256, 1], strides = [1, 1]} : vector<256x8xi32> to vector<256x1xi32>
    %eq3A_86 = vector.broadcast %slice3A_85 : vector<256x1xi32> to vector<256x256xi32>
    %eq3A_87 = arith.cmpi eq, %iota3A, %eq3A_86 : vector<256x256xi32>
    %convert_element_type3A_88 = arith.extui %eq3A_87 : vector<256x256xi1> to vector<256x256xi32>
    %convert_element_type3A_89 = arith.sitofp %convert_element_type3A_88 : vector<256x256xi32> to vector<256x256xf32>
    %mul3A_90 = arith.mulf %convert_element_type3A_89, %exp3A : vector<256x256xf32>
    %reduce_sum3A_91 = arith.constant dense<0.000000e+00> : vector<256xf32>
    %reduce_sum3A_92 = vector.multi_reduction <add>, %mul3A_90, %reduce_sum3A_91 [1] : vector<256x256xf32> to vector<256xf32>
    %broadcast_in_dim3A_93 = vector.shape_cast %reduce_sum3A_92 : vector<256xf32> to vector<256x1xf32>
    %mul3A_94 = vector.broadcast %convert_element_type3A : vector<1x256xf32> to vector<256x256xf32>
    %mul3A_95 = arith.mulf %convert_element_type3A_89, %mul3A_94 : vector<256x256xf32>
    %reduce_sum3A_96 = arith.constant dense<0.000000e+00> : vector<256xf32>
    %reduce_sum3A_97 = vector.multi_reduction <add>, %mul3A_95, %reduce_sum3A_96 [1] : vector<256x256xf32> to vector<256xf32>
    %broadcast_in_dim3A_98 = vector.shape_cast %reduce_sum3A_97 : vector<256xf32> to vector<256x1xf32>
    %dot_general3A_99 = arith.constant dense<0.000000e+00> : vector<256x128xf32>
    %dot_general3A_100 = tpu.matmul %convert_element_type3A_89, %get3A_38, %dot_general3A_99 {dimension_numbers = #tpu.dot_dimension_numbers<[1], [0], [0], [1], [0, 0, 1, 1], [], []>, precision = #tpu.contract_precision<fp32>, transpose_lhs_hint = false} : vector<256x256xf32>, vector<256x128xf32>, vector<256x128xf32> -> vector<256x128xf32>
    %add3A_101 = arith.addf %get3A_33, %dot_general3A_100 : vector<256x128xf32>
    %mul3A_102 = vector.broadcast %broadcast_in_dim3A_93 : vector<256x1xf32> to vector<256x128xf32>
    %mul3A_103 = vector.broadcast %get3A_41 : vector<1x128xf32> to vector<256x128xf32>
    %mul3A_104 = arith.mulf %mul3A_102, %mul3A_103 : vector<256x128xf32>
    %add3A_105 = arith.addf %add3A_101, %mul3A_104 : vector<256x128xf32>
    %gt3A_106 = arith.constant 0.000000e+00 : f32
    %gt3A_107 = vector.broadcast %gt3A_106 : f32 to vector<256x128xf32>
    %gt3A_108 = arith.cmpf ogt, %add3A_105, %gt3A_107 : vector<256x128xf32>
    %exp3A_109 = math.exp %add3A_105 : vector<256x128xf32>
    %sub3A_110 = arith.constant 1.000000e+00 : f32
    %sub3A_111 = vector.broadcast %sub3A_110 : f32 to vector<256x128xf32>
    %sub3A_112 = arith.subf %exp3A_109, %sub3A_111 : vector<256x128xf32>
    %select_n3A_113 = arith.select %gt3A_108, %add3A_105, %sub3A_112 : vector<256x128xi1>, vector<256x128xf32>
    %dot_general3A_114 = arith.constant dense<0.000000e+00> : vector<256x1xf32>
    %dot_general3A_115 = tpu.matmul %select_n3A_113, %get3A_44, %dot_general3A_114 {dimension_numbers = #tpu.dot_dimension_numbers<[1], [0], [0], [1], [0, 0, 1, 1], [], []>, precision = #tpu.contract_precision<fp32>, transpose_lhs_hint = false} : vector<256x128xf32>, vector<128x1xf32>, vector<256x1xf32> -> vector<256x1xf32>
    %add3A_116 = vector.broadcast %get3A_47 : vector<1x1xf32> to vector<256x1xf32>
    %add3A_117 = arith.addf %dot_general3A_115, %add3A_116 : vector<256x1xf32>
    %neg3A_118 = arith.constant 0.000000e+00 : f32
    %neg3A_119 = vector.broadcast %neg3A_118 : f32 to vector<256x1xf32>
    %neg3A_120 = arith.subf %neg3A_119, %add3A_117 : vector<256x1xf32>
    %exp3A_121 = math.exp %neg3A_120 : vector<256x1xf32>
    %add3A_122 = arith.constant 1.000000e+00 : f32
    %add3A_123 = vector.broadcast %add3A_122 : f32 to vector<256x1xf32>
    %add3A_124 = arith.addf %add3A_123, %exp3A_121 : vector<256x1xf32>
    %div3A_125 = arith.constant 1.000000e+00 : f32
    %div3A_126 = vector.broadcast %div3A_125 : f32 to vector<256x1xf32>
    %div3A_127 = arith.divf %div3A_126, %add3A_124 : vector<256x1xf32>
    %slice3A_128 = vector.extract_strided_slice %get3A_28 {offsets = [0, 2], sizes = [256, 1], strides = [1, 1]} : vector<256x8xi32> to vector<256x1xi32>
    %eq3A_129 = vector.broadcast %slice3A_128 : vector<256x1xi32> to vector<256x256xi32>
    %eq3A_130 = arith.cmpi eq, %iota3A, %eq3A_129 : vector<256x256xi32>
    %convert_element_type3A_131 = arith.extui %eq3A_130 : vector<256x256xi1> to vector<256x256xi32>
    %convert_element_type3A_132 = arith.sitofp %convert_element_type3A_131 : vector<256x256xi32> to vector<256x256xf32>
    %mul3A_133 = arith.mulf %convert_element_type3A_132, %exp3A : vector<256x256xf32>
    %reduce_sum3A_134 = arith.constant dense<0.000000e+00> : vector<256xf32>
    %reduce_sum3A_135 = vector.multi_reduction <add>, %mul3A_133, %reduce_sum3A_134 [1] : vector<256x256xf32> to vector<256xf32>
    %broadcast_in_dim3A_136 = vector.shape_cast %reduce_sum3A_135 : vector<256xf32> to vector<256x1xf32>
    %mul3A_137 = vector.broadcast %convert_element_type3A : vector<1x256xf32> to vector<256x256xf32>
    %mul3A_138 = arith.mulf %convert_element_type3A_132, %mul3A_137 : vector<256x256xf32>
    %reduce_sum3A_139 = arith.constant dense<0.000000e+00> : vector<256xf32>
    %reduce_sum3A_140 = vector.multi_reduction <add>, %mul3A_138, %reduce_sum3A_139 [1] : vector<256x256xf32> to vector<256xf32>
    %broadcast_in_dim3A_141 = vector.shape_cast %reduce_sum3A_140 : vector<256xf32> to vector<256x1xf32>
    %dot_general3A_142 = arith.constant dense<0.000000e+00> : vector<256x128xf32>
    %dot_general3A_143 = tpu.matmul %convert_element_type3A_132, %get3A_38, %dot_general3A_142 {dimension_numbers = #tpu.dot_dimension_numbers<[1], [0], [0], [1], [0, 0, 1, 1], [], []>, precision = #tpu.contract_precision<fp32>, transpose_lhs_hint = false} : vector<256x256xf32>, vector<256x128xf32>, vector<256x128xf32> -> vector<256x128xf32>
    %add3A_144 = arith.addf %get3A_33, %dot_general3A_143 : vector<256x128xf32>
    %mul3A_145 = vector.broadcast %broadcast_in_dim3A_136 : vector<256x1xf32> to vector<256x128xf32>
    %mul3A_146 = vector.broadcast %get3A_41 : vector<1x128xf32> to vector<256x128xf32>
    %mul3A_147 = arith.mulf %mul3A_145, %mul3A_146 : vector<256x128xf32>
    %add3A_148 = arith.addf %add3A_144, %mul3A_147 : vector<256x128xf32>
    %gt3A_149 = arith.constant 0.000000e+00 : f32
    %gt3A_150 = vector.broadcast %gt3A_149 : f32 to vector<256x128xf32>
    %gt3A_151 = arith.cmpf ogt, %add3A_148, %gt3A_150 : vector<256x128xf32>
    %exp3A_152 = math.exp %add3A_148 : vector<256x128xf32>
    %sub3A_153 = arith.constant 1.000000e+00 : f32
    %sub3A_154 = vector.broadcast %sub3A_153 : f32 to vector<256x128xf32>
    %sub3A_155 = arith.subf %exp3A_152, %sub3A_154 : vector<256x128xf32>
    %select_n3A_156 = arith.select %gt3A_151, %add3A_148, %sub3A_155 : vector<256x128xi1>, vector<256x128xf32>
    %dot_general3A_157 = arith.constant dense<0.000000e+00> : vector<256x1xf32>
    %dot_general3A_158 = tpu.matmul %select_n3A_156, %get3A_44, %dot_general3A_157 {dimension_numbers = #tpu.dot_dimension_numbers<[1], [0], [0], [1], [0, 0, 1, 1], [], []>, precision = #tpu.contract_precision<fp32>, transpose_lhs_hint = false} : vector<256x128xf32>, vector<128x1xf32>, vector<256x1xf32> -> vector<256x1xf32>
    %add3A_159 = vector.broadcast %get3A_47 : vector<1x1xf32> to vector<256x1xf32>
    %add3A_160 = arith.addf %dot_general3A_158, %add3A_159 : vector<256x1xf32>
    %neg3A_161 = arith.constant 0.000000e+00 : f32
    %neg3A_162 = vector.broadcast %neg3A_161 : f32 to vector<256x1xf32>
    %neg3A_163 = arith.subf %neg3A_162, %add3A_160 : vector<256x1xf32>
    %exp3A_164 = math.exp %neg3A_163 : vector<256x1xf32>
    %add3A_165 = arith.constant 1.000000e+00 : f32
    %add3A_166 = vector.broadcast %add3A_165 : f32 to vector<256x1xf32>
    %add3A_167 = arith.addf %add3A_166, %exp3A_164 : vector<256x1xf32>
    %div3A_168 = arith.constant 1.000000e+00 : f32
    %div3A_169 = vector.broadcast %div3A_168 : f32 to vector<256x1xf32>
    %div3A_170 = arith.divf %div3A_169, %add3A_167 : vector<256x1xf32>
    %slice3A_171 = vector.extract_strided_slice %get3A_28 {offsets = [0, 3], sizes = [256, 1], strides = [1, 1]} : vector<256x8xi32> to vector<256x1xi32>
    %eq3A_172 = vector.broadcast %slice3A_171 : vector<256x1xi32> to vector<256x256xi32>
    %eq3A_173 = arith.cmpi eq, %iota3A, %eq3A_172 : vector<256x256xi32>
    %convert_element_type3A_174 = arith.extui %eq3A_173 : vector<256x256xi1> to vector<256x256xi32>
    %convert_element_type3A_175 = arith.sitofp %convert_element_type3A_174 : vector<256x256xi32> to vector<256x256xf32>
    %mul3A_176 = arith.mulf %convert_element_type3A_175, %exp3A : vector<256x256xf32>
    %reduce_sum3A_177 = arith.constant dense<0.000000e+00> : vector<256xf32>
    %reduce_sum3A_178 = vector.multi_reduction <add>, %mul3A_176, %reduce_sum3A_177 [1] : vector<256x256xf32> to vector<256xf32>
    %broadcast_in_dim3A_179 = vector.shape_cast %reduce_sum3A_178 : vector<256xf32> to vector<256x1xf32>
    %mul3A_180 = vector.broadcast %convert_element_type3A : vector<1x256xf32> to vector<256x256xf32>
    %mul3A_181 = arith.mulf %convert_element_type3A_175, %mul3A_180 : vector<256x256xf32>
    %reduce_sum3A_182 = arith.constant dense<0.000000e+00> : vector<256xf32>
    %reduce_sum3A_183 = vector.multi_reduction <add>, %mul3A_181, %reduce_sum3A_182 [1] : vector<256x256xf32> to vector<256xf32>
    %broadcast_in_dim3A_184 = vector.shape_cast %reduce_sum3A_183 : vector<256xf32> to vector<256x1xf32>
    %dot_general3A_185 = arith.constant dense<0.000000e+00> : vector<256x128xf32>
    %dot_general3A_186 = tpu.matmul %convert_element_type3A_175, %get3A_38, %dot_general3A_185 {dimension_numbers = #tpu.dot_dimension_numbers<[1], [0], [0], [1], [0, 0, 1, 1], [], []>, precision = #tpu.contract_precision<fp32>, transpose_lhs_hint = false} : vector<256x256xf32>, vector<256x128xf32>, vector<256x128xf32> -> vector<256x128xf32>
    %add3A_187 = arith.addf %get3A_33, %dot_general3A_186 : vector<256x128xf32>
    %mul3A_188 = vector.broadcast %broadcast_in_dim3A_179 : vector<256x1xf32> to vector<256x128xf32>
    %mul3A_189 = vector.broadcast %get3A_41 : vector<1x128xf32> to vector<256x128xf32>
    %mul3A_190 = arith.mulf %mul3A_188, %mul3A_189 : vector<256x128xf32>
    %add3A_191 = arith.addf %add3A_187, %mul3A_190 : vector<256x128xf32>
    %gt3A_192 = arith.constant 0.000000e+00 : f32
    %gt3A_193 = vector.broadcast %gt3A_192 : f32 to vector<256x128xf32>
    %gt3A_194 = arith.cmpf ogt, %add3A_191, %gt3A_193 : vector<256x128xf32>
    %exp3A_195 = math.exp %add3A_191 : vector<256x128xf32>
    %sub3A_196 = arith.constant 1.000000e+00 : f32
    %sub3A_197 = vector.broadcast %sub3A_196 : f32 to vector<256x128xf32>
    %sub3A_198 = arith.subf %exp3A_195, %sub3A_197 : vector<256x128xf32>
    %select_n3A_199 = arith.select %gt3A_194, %add3A_191, %sub3A_198 : vector<256x128xi1>, vector<256x128xf32>
    %dot_general3A_200 = arith.constant dense<0.000000e+00> : vector<256x1xf32>
    %dot_general3A_201 = tpu.matmul %select_n3A_199, %get3A_44, %dot_general3A_200 {dimension_numbers = #tpu.dot_dimension_numbers<[1], [0], [0], [1], [0, 0, 1, 1], [], []>, precision = #tpu.contract_precision<fp32>, transpose_lhs_hint = false} : vector<256x128xf32>, vector<128x1xf32>, vector<256x1xf32> -> vector<256x1xf32>
    %add3A_202 = vector.broadcast %get3A_47 : vector<1x1xf32> to vector<256x1xf32>
    %add3A_203 = arith.addf %dot_general3A_201, %add3A_202 : vector<256x1xf32>
    %neg3A_204 = arith.constant 0.000000e+00 : f32
    %neg3A_205 = vector.broadcast %neg3A_204 : f32 to vector<256x1xf32>
    %neg3A_206 = arith.subf %neg3A_205, %add3A_203 : vector<256x1xf32>
    %exp3A_207 = math.exp %neg3A_206 : vector<256x1xf32>
    %add3A_208 = arith.constant 1.000000e+00 : f32
    %add3A_209 = vector.broadcast %add3A_208 : f32 to vector<256x1xf32>
    %add3A_210 = arith.addf %add3A_209, %exp3A_207 : vector<256x1xf32>
    %div3A_211 = arith.constant 1.000000e+00 : f32
    %div3A_212 = vector.broadcast %div3A_211 : f32 to vector<256x1xf32>
    %div3A_213 = arith.divf %div3A_212, %add3A_210 : vector<256x1xf32>
    %slice3A_214 = vector.extract_strided_slice %get3A_28 {offsets = [0, 4], sizes = [256, 1], strides = [1, 1]} : vector<256x8xi32> to vector<256x1xi32>
    %eq3A_215 = vector.broadcast %slice3A_214 : vector<256x1xi32> to vector<256x256xi32>
    %eq3A_216 = arith.cmpi eq, %iota3A, %eq3A_215 : vector<256x256xi32>
    %convert_element_type3A_217 = arith.extui %eq3A_216 : vector<256x256xi1> to vector<256x256xi32>
    %convert_element_type3A_218 = arith.sitofp %convert_element_type3A_217 : vector<256x256xi32> to vector<256x256xf32>
    %mul3A_219 = arith.mulf %convert_element_type3A_218, %exp3A : vector<256x256xf32>
    %reduce_sum3A_220 = arith.constant dense<0.000000e+00> : vector<256xf32>
    %reduce_sum3A_221 = vector.multi_reduction <add>, %mul3A_219, %reduce_sum3A_220 [1] : vector<256x256xf32> to vector<256xf32>
    %broadcast_in_dim3A_222 = vector.shape_cast %reduce_sum3A_221 : vector<256xf32> to vector<256x1xf32>
    %mul3A_223 = vector.broadcast %convert_element_type3A : vector<1x256xf32> to vector<256x256xf32>
    %mul3A_224 = arith.mulf %convert_element_type3A_218, %mul3A_223 : vector<256x256xf32>
    %reduce_sum3A_225 = arith.constant dense<0.000000e+00> : vector<256xf32>
    %reduce_sum3A_226 = vector.multi_reduction <add>, %mul3A_224, %reduce_sum3A_225 [1] : vector<256x256xf32> to vector<256xf32>
    %broadcast_in_dim3A_227 = vector.shape_cast %reduce_sum3A_226 : vector<256xf32> to vector<256x1xf32>
    %dot_general3A_228 = arith.constant dense<0.000000e+00> : vector<256x128xf32>
    %dot_general3A_229 = tpu.matmul %convert_element_type3A_218, %get3A_38, %dot_general3A_228 {dimension_numbers = #tpu.dot_dimension_numbers<[1], [0], [0], [1], [0, 0, 1, 1], [], []>, precision = #tpu.contract_precision<fp32>, transpose_lhs_hint = false} : vector<256x256xf32>, vector<256x128xf32>, vector<256x128xf32> -> vector<256x128xf32>
    %add3A_230 = arith.addf %get3A_33, %dot_general3A_229 : vector<256x128xf32>
    %mul3A_231 = vector.broadcast %broadcast_in_dim3A_222 : vector<256x1xf32> to vector<256x128xf32>
    %mul3A_232 = vector.broadcast %get3A_41 : vector<1x128xf32> to vector<256x128xf32>
    %mul3A_233 = arith.mulf %mul3A_231, %mul3A_232 : vector<256x128xf32>
    %add3A_234 = arith.addf %add3A_230, %mul3A_233 : vector<256x128xf32>
    %gt3A_235 = arith.constant 0.000000e+00 : f32
    %gt3A_236 = vector.broadcast %gt3A_235 : f32 to vector<256x128xf32>
    %gt3A_237 = arith.cmpf ogt, %add3A_234, %gt3A_236 : vector<256x128xf32>
    %exp3A_238 = math.exp %add3A_234 : vector<256x128xf32>
    %sub3A_239 = arith.constant 1.000000e+00 : f32
    %sub3A_240 = vector.broadcast %sub3A_239 : f32 to vector<256x128xf32>
    %sub3A_241 = arith.subf %exp3A_238, %sub3A_240 : vector<256x128xf32>
    %select_n3A_242 = arith.select %gt3A_237, %add3A_234, %sub3A_241 : vector<256x128xi1>, vector<256x128xf32>
    %dot_general3A_243 = arith.constant dense<0.000000e+00> : vector<256x1xf32>
    %dot_general3A_244 = tpu.matmul %select_n3A_242, %get3A_44, %dot_general3A_243 {dimension_numbers = #tpu.dot_dimension_numbers<[1], [0], [0], [1], [0, 0, 1, 1], [], []>, precision = #tpu.contract_precision<fp32>, transpose_lhs_hint = false} : vector<256x128xf32>, vector<128x1xf32>, vector<256x1xf32> -> vector<256x1xf32>
    %add3A_245 = vector.broadcast %get3A_47 : vector<1x1xf32> to vector<256x1xf32>
    %add3A_246 = arith.addf %dot_general3A_244, %add3A_245 : vector<256x1xf32>
    %neg3A_247 = arith.constant 0.000000e+00 : f32
    %neg3A_248 = vector.broadcast %neg3A_247 : f32 to vector<256x1xf32>
    %neg3A_249 = arith.subf %neg3A_248, %add3A_246 : vector<256x1xf32>
    %exp3A_250 = math.exp %neg3A_249 : vector<256x1xf32>
    %add3A_251 = arith.constant 1.000000e+00 : f32
    %add3A_252 = vector.broadcast %add3A_251 : f32 to vector<256x1xf32>
    %add3A_253 = arith.addf %add3A_252, %exp3A_250 : vector<256x1xf32>
    %div3A_254 = arith.constant 1.000000e+00 : f32
    %div3A_255 = vector.broadcast %div3A_254 : f32 to vector<256x1xf32>
    %div3A_256 = arith.divf %div3A_255, %add3A_253 : vector<256x1xf32>
    %slice3A_257 = vector.extract_strided_slice %get3A_28 {offsets = [0, 5], sizes = [256, 1], strides = [1, 1]} : vector<256x8xi32> to vector<256x1xi32>
    %eq3A_258 = vector.broadcast %slice3A_257 : vector<256x1xi32> to vector<256x256xi32>
    %eq3A_259 = arith.cmpi eq, %iota3A, %eq3A_258 : vector<256x256xi32>
    %convert_element_type3A_260 = arith.extui %eq3A_259 : vector<256x256xi1> to vector<256x256xi32>
    %convert_element_type3A_261 = arith.sitofp %convert_element_type3A_260 : vector<256x256xi32> to vector<256x256xf32>
    %mul3A_262 = arith.mulf %convert_element_type3A_261, %exp3A : vector<256x256xf32>
    %reduce_sum3A_263 = arith.constant dense<0.000000e+00> : vector<256xf32>
    %reduce_sum3A_264 = vector.multi_reduction <add>, %mul3A_262, %reduce_sum3A_263 [1] : vector<256x256xf32> to vector<256xf32>
    %broadcast_in_dim3A_265 = vector.shape_cast %reduce_sum3A_264 : vector<256xf32> to vector<256x1xf32>
    %mul3A_266 = vector.broadcast %convert_element_type3A : vector<1x256xf32> to vector<256x256xf32>
    %mul3A_267 = arith.mulf %convert_element_type3A_261, %mul3A_266 : vector<256x256xf32>
    %reduce_sum3A_268 = arith.constant dense<0.000000e+00> : vector<256xf32>
    %reduce_sum3A_269 = vector.multi_reduction <add>, %mul3A_267, %reduce_sum3A_268 [1] : vector<256x256xf32> to vector<256xf32>
    %broadcast_in_dim3A_270 = vector.shape_cast %reduce_sum3A_269 : vector<256xf32> to vector<256x1xf32>
    %dot_general3A_271 = arith.constant dense<0.000000e+00> : vector<256x128xf32>
    %dot_general3A_272 = tpu.matmul %convert_element_type3A_261, %get3A_38, %dot_general3A_271 {dimension_numbers = #tpu.dot_dimension_numbers<[1], [0], [0], [1], [0, 0, 1, 1], [], []>, precision = #tpu.contract_precision<fp32>, transpose_lhs_hint = false} : vector<256x256xf32>, vector<256x128xf32>, vector<256x128xf32> -> vector<256x128xf32>
    %add3A_273 = arith.addf %get3A_33, %dot_general3A_272 : vector<256x128xf32>
    %mul3A_274 = vector.broadcast %broadcast_in_dim3A_265 : vector<256x1xf32> to vector<256x128xf32>
    %mul3A_275 = vector.broadcast %get3A_41 : vector<1x128xf32> to vector<256x128xf32>
    %mul3A_276 = arith.mulf %mul3A_274, %mul3A_275 : vector<256x128xf32>
    %add3A_277 = arith.addf %add3A_273, %mul3A_276 : vector<256x128xf32>
    %gt3A_278 = arith.constant 0.000000e+00 : f32
    %gt3A_279 = vector.broadcast %gt3A_278 : f32 to vector<256x128xf32>
    %gt3A_280 = arith.cmpf ogt, %add3A_277, %gt3A_279 : vector<256x128xf32>
    %exp3A_281 = math.exp %add3A_277 : vector<256x128xf32>
    %sub3A_282 = arith.constant 1.000000e+00 : f32
    %sub3A_283 = vector.broadcast %sub3A_282 : f32 to vector<256x128xf32>
    %sub3A_284 = arith.subf %exp3A_281, %sub3A_283 : vector<256x128xf32>
    %select_n3A_285 = arith.select %gt3A_280, %add3A_277, %sub3A_284 : vector<256x128xi1>, vector<256x128xf32>
    %dot_general3A_286 = arith.constant dense<0.000000e+00> : vector<256x1xf32>
    %dot_general3A_287 = tpu.matmul %select_n3A_285, %get3A_44, %dot_general3A_286 {dimension_numbers = #tpu.dot_dimension_numbers<[1], [0], [0], [1], [0, 0, 1, 1], [], []>, precision = #tpu.contract_precision<fp32>, transpose_lhs_hint = false} : vector<256x128xf32>, vector<128x1xf32>, vector<256x1xf32> -> vector<256x1xf32>
    %add3A_288 = vector.broadcast %get3A_47 : vector<1x1xf32> to vector<256x1xf32>
    %add3A_289 = arith.addf %dot_general3A_287, %add3A_288 : vector<256x1xf32>
    %neg3A_290 = arith.constant 0.000000e+00 : f32
    %neg3A_291 = vector.broadcast %neg3A_290 : f32 to vector<256x1xf32>
    %neg3A_292 = arith.subf %neg3A_291, %add3A_289 : vector<256x1xf32>
    %exp3A_293 = math.exp %neg3A_292 : vector<256x1xf32>
    %add3A_294 = arith.constant 1.000000e+00 : f32
    %add3A_295 = vector.broadcast %add3A_294 : f32 to vector<256x1xf32>
    %add3A_296 = arith.addf %add3A_295, %exp3A_293 : vector<256x1xf32>
    %div3A_297 = arith.constant 1.000000e+00 : f32
    %div3A_298 = vector.broadcast %div3A_297 : f32 to vector<256x1xf32>
    %div3A_299 = arith.divf %div3A_298, %add3A_296 : vector<256x1xf32>
    %slice3A_300 = vector.extract_strided_slice %get3A_28 {offsets = [0, 6], sizes = [256, 1], strides = [1, 1]} : vector<256x8xi32> to vector<256x1xi32>
    %eq3A_301 = vector.broadcast %slice3A_300 : vector<256x1xi32> to vector<256x256xi32>
    %eq3A_302 = arith.cmpi eq, %iota3A, %eq3A_301 : vector<256x256xi32>
    %convert_element_type3A_303 = arith.extui %eq3A_302 : vector<256x256xi1> to vector<256x256xi32>
    %convert_element_type3A_304 = arith.sitofp %convert_element_type3A_303 : vector<256x256xi32> to vector<256x256xf32>
    %mul3A_305 = arith.mulf %convert_element_type3A_304, %exp3A : vector<256x256xf32>
    %reduce_sum3A_306 = arith.constant dense<0.000000e+00> : vector<256xf32>
    %reduce_sum3A_307 = vector.multi_reduction <add>, %mul3A_305, %reduce_sum3A_306 [1] : vector<256x256xf32> to vector<256xf32>
    %broadcast_in_dim3A_308 = vector.shape_cast %reduce_sum3A_307 : vector<256xf32> to vector<256x1xf32>
    %mul3A_309 = vector.broadcast %convert_element_type3A : vector<1x256xf32> to vector<256x256xf32>
    %mul3A_310 = arith.mulf %convert_element_type3A_304, %mul3A_309 : vector<256x256xf32>
    %reduce_sum3A_311 = arith.constant dense<0.000000e+00> : vector<256xf32>
    %reduce_sum3A_312 = vector.multi_reduction <add>, %mul3A_310, %reduce_sum3A_311 [1] : vector<256x256xf32> to vector<256xf32>
    %broadcast_in_dim3A_313 = vector.shape_cast %reduce_sum3A_312 : vector<256xf32> to vector<256x1xf32>
    %dot_general3A_314 = arith.constant dense<0.000000e+00> : vector<256x128xf32>
    %dot_general3A_315 = tpu.matmul %convert_element_type3A_304, %get3A_38, %dot_general3A_314 {dimension_numbers = #tpu.dot_dimension_numbers<[1], [0], [0], [1], [0, 0, 1, 1], [], []>, precision = #tpu.contract_precision<fp32>, transpose_lhs_hint = false} : vector<256x256xf32>, vector<256x128xf32>, vector<256x128xf32> -> vector<256x128xf32>
    %add3A_316 = arith.addf %get3A_33, %dot_general3A_315 : vector<256x128xf32>
    %mul3A_317 = vector.broadcast %broadcast_in_dim3A_308 : vector<256x1xf32> to vector<256x128xf32>
    %mul3A_318 = vector.broadcast %get3A_41 : vector<1x128xf32> to vector<256x128xf32>
    %mul3A_319 = arith.mulf %mul3A_317, %mul3A_318 : vector<256x128xf32>
    %add3A_320 = arith.addf %add3A_316, %mul3A_319 : vector<256x128xf32>
    %gt3A_321 = arith.constant 0.000000e+00 : f32
    %gt3A_322 = vector.broadcast %gt3A_321 : f32 to vector<256x128xf32>
    %gt3A_323 = arith.cmpf ogt, %add3A_320, %gt3A_322 : vector<256x128xf32>
    %exp3A_324 = math.exp %add3A_320 : vector<256x128xf32>
    %sub3A_325 = arith.constant 1.000000e+00 : f32
    %sub3A_326 = vector.broadcast %sub3A_325 : f32 to vector<256x128xf32>
    %sub3A_327 = arith.subf %exp3A_324, %sub3A_326 : vector<256x128xf32>
    %select_n3A_328 = arith.select %gt3A_323, %add3A_320, %sub3A_327 : vector<256x128xi1>, vector<256x128xf32>
    %dot_general3A_329 = arith.constant dense<0.000000e+00> : vector<256x1xf32>
    %dot_general3A_330 = tpu.matmul %select_n3A_328, %get3A_44, %dot_general3A_329 {dimension_numbers = #tpu.dot_dimension_numbers<[1], [0], [0], [1], [0, 0, 1, 1], [], []>, precision = #tpu.contract_precision<fp32>, transpose_lhs_hint = false} : vector<256x128xf32>, vector<128x1xf32>, vector<256x1xf32> -> vector<256x1xf32>
    %add3A_331 = vector.broadcast %get3A_47 : vector<1x1xf32> to vector<256x1xf32>
    %add3A_332 = arith.addf %dot_general3A_330, %add3A_331 : vector<256x1xf32>
    %neg3A_333 = arith.constant 0.000000e+00 : f32
    %neg3A_334 = vector.broadcast %neg3A_333 : f32 to vector<256x1xf32>
    %neg3A_335 = arith.subf %neg3A_334, %add3A_332 : vector<256x1xf32>
    %exp3A_336 = math.exp %neg3A_335 : vector<256x1xf32>
    %add3A_337 = arith.constant 1.000000e+00 : f32
    %add3A_338 = vector.broadcast %add3A_337 : f32 to vector<256x1xf32>
    %add3A_339 = arith.addf %add3A_338, %exp3A_336 : vector<256x1xf32>
    %div3A_340 = arith.constant 1.000000e+00 : f32
    %div3A_341 = vector.broadcast %div3A_340 : f32 to vector<256x1xf32>
    %div3A_342 = arith.divf %div3A_341, %add3A_339 : vector<256x1xf32>
    %slice3A_343 = vector.extract_strided_slice %get3A_28 {offsets = [0, 7], sizes = [256, 1], strides = [1, 1]} : vector<256x8xi32> to vector<256x1xi32>
    %eq3A_344 = vector.broadcast %slice3A_343 : vector<256x1xi32> to vector<256x256xi32>
    %eq3A_345 = arith.cmpi eq, %iota3A, %eq3A_344 : vector<256x256xi32>
    %convert_element_type3A_346 = arith.extui %eq3A_345 : vector<256x256xi1> to vector<256x256xi32>
    %convert_element_type3A_347 = arith.sitofp %convert_element_type3A_346 : vector<256x256xi32> to vector<256x256xf32>
    %mul3A_348 = arith.mulf %convert_element_type3A_347, %exp3A : vector<256x256xf32>
    %reduce_sum3A_349 = arith.constant dense<0.000000e+00> : vector<256xf32>
    %reduce_sum3A_350 = vector.multi_reduction <add>, %mul3A_348, %reduce_sum3A_349 [1] : vector<256x256xf32> to vector<256xf32>
    %broadcast_in_dim3A_351 = vector.shape_cast %reduce_sum3A_350 : vector<256xf32> to vector<256x1xf32>
    %mul3A_352 = vector.broadcast %convert_element_type3A : vector<1x256xf32> to vector<256x256xf32>
    %mul3A_353 = arith.mulf %convert_element_type3A_347, %mul3A_352 : vector<256x256xf32>
    %reduce_sum3A_354 = arith.constant dense<0.000000e+00> : vector<256xf32>
    %reduce_sum3A_355 = vector.multi_reduction <add>, %mul3A_353, %reduce_sum3A_354 [1] : vector<256x256xf32> to vector<256xf32>
    %broadcast_in_dim3A_356 = vector.shape_cast %reduce_sum3A_355 : vector<256xf32> to vector<256x1xf32>
    %dot_general3A_357 = arith.constant dense<0.000000e+00> : vector<256x128xf32>
    %dot_general3A_358 = tpu.matmul %convert_element_type3A_347, %get3A_38, %dot_general3A_357 {dimension_numbers = #tpu.dot_dimension_numbers<[1], [0], [0], [1], [0, 0, 1, 1], [], []>, precision = #tpu.contract_precision<fp32>, transpose_lhs_hint = false} : vector<256x256xf32>, vector<256x128xf32>, vector<256x128xf32> -> vector<256x128xf32>
    %add3A_359 = arith.addf %get3A_33, %dot_general3A_358 : vector<256x128xf32>
    %mul3A_360 = vector.broadcast %broadcast_in_dim3A_351 : vector<256x1xf32> to vector<256x128xf32>
    %mul3A_361 = vector.broadcast %get3A_41 : vector<1x128xf32> to vector<256x128xf32>
    %mul3A_362 = arith.mulf %mul3A_360, %mul3A_361 : vector<256x128xf32>
    %add3A_363 = arith.addf %add3A_359, %mul3A_362 : vector<256x128xf32>
    %gt3A_364 = arith.constant 0.000000e+00 : f32
    %gt3A_365 = vector.broadcast %gt3A_364 : f32 to vector<256x128xf32>
    %gt3A_366 = arith.cmpf ogt, %add3A_363, %gt3A_365 : vector<256x128xf32>
    %exp3A_367 = math.exp %add3A_363 : vector<256x128xf32>
    %sub3A_368 = arith.constant 1.000000e+00 : f32
    %sub3A_369 = vector.broadcast %sub3A_368 : f32 to vector<256x128xf32>
    %sub3A_370 = arith.subf %exp3A_367, %sub3A_369 : vector<256x128xf32>
    %select_n3A_371 = arith.select %gt3A_366, %add3A_363, %sub3A_370 : vector<256x128xi1>, vector<256x128xf32>
    %dot_general3A_372 = arith.constant dense<0.000000e+00> : vector<256x1xf32>
    %dot_general3A_373 = tpu.matmul %select_n3A_371, %get3A_44, %dot_general3A_372 {dimension_numbers = #tpu.dot_dimension_numbers<[1], [0], [0], [1], [0, 0, 1, 1], [], []>, precision = #tpu.contract_precision<fp32>, transpose_lhs_hint = false} : vector<256x128xf32>, vector<128x1xf32>, vector<256x1xf32> -> vector<256x1xf32>
    %add3A_374 = vector.broadcast %get3A_47 : vector<1x1xf32> to vector<256x1xf32>
    %add3A_375 = arith.addf %dot_general3A_373, %add3A_374 : vector<256x1xf32>
    %neg3A_376 = arith.constant 0.000000e+00 : f32
    %neg3A_377 = vector.broadcast %neg3A_376 : f32 to vector<256x1xf32>
    %neg3A_378 = arith.subf %neg3A_377, %add3A_375 : vector<256x1xf32>
    %exp3A_379 = math.exp %neg3A_378 : vector<256x1xf32>
    %add3A_380 = arith.constant 1.000000e+00 : f32
    %add3A_381 = vector.broadcast %add3A_380 : f32 to vector<256x1xf32>
    %add3A_382 = arith.addf %add3A_381, %exp3A_379 : vector<256x1xf32>
    %div3A_383 = arith.constant 1.000000e+00 : f32
    %div3A_384 = vector.broadcast %div3A_383 : f32 to vector<256x1xf32>
    %div3A_385 = arith.divf %div3A_384, %add3A_382 : vector<256x1xf32>
    %gt3A_386 = arith.cmpf ogt, %broadcast_in_dim3A_59, %broadcast_in_dim3A_98 : vector<256x1xf32>
    %select_n3A_387 = arith.select %gt3A_386, %broadcast_in_dim3A_98, %broadcast_in_dim3A_59 : vector<256x1xi1>, vector<256x1xf32>
    %select_n3A_388 = arith.select %gt3A_386, %broadcast_in_dim3A_59, %broadcast_in_dim3A_98 : vector<256x1xi1>, vector<256x1xf32>
    %select_n3A_389 = arith.select %gt3A_386, %div3A_127, %div3A_84 : vector<256x1xi1>, vector<256x1xf32>
    %select_n3A_390 = arith.select %gt3A_386, %div3A_84, %div3A_127 : vector<256x1xi1>, vector<256x1xf32>
    %gt3A_391 = arith.cmpf ogt, %broadcast_in_dim3A_141, %broadcast_in_dim3A_184 : vector<256x1xf32>
    %select_n3A_392 = arith.select %gt3A_391, %broadcast_in_dim3A_184, %broadcast_in_dim3A_141 : vector<256x1xi1>, vector<256x1xf32>
    %select_n3A_393 = arith.select %gt3A_391, %broadcast_in_dim3A_141, %broadcast_in_dim3A_184 : vector<256x1xi1>, vector<256x1xf32>
    %select_n3A_394 = arith.select %gt3A_391, %div3A_213, %div3A_170 : vector<256x1xi1>, vector<256x1xf32>
    %select_n3A_395 = arith.select %gt3A_391, %div3A_170, %div3A_213 : vector<256x1xi1>, vector<256x1xf32>
    %gt3A_396 = arith.cmpf ogt, %broadcast_in_dim3A_227, %broadcast_in_dim3A_270 : vector<256x1xf32>
    %select_n3A_397 = arith.select %gt3A_396, %broadcast_in_dim3A_270, %broadcast_in_dim3A_227 : vector<256x1xi1>, vector<256x1xf32>
    %select_n3A_398 = arith.select %gt3A_396, %broadcast_in_dim3A_227, %broadcast_in_dim3A_270 : vector<256x1xi1>, vector<256x1xf32>
    %select_n3A_399 = arith.select %gt3A_396, %div3A_299, %div3A_256 : vector<256x1xi1>, vector<256x1xf32>
    %select_n3A_400 = arith.select %gt3A_396, %div3A_256, %div3A_299 : vector<256x1xi1>, vector<256x1xf32>
    %gt3A_401 = arith.cmpf ogt, %broadcast_in_dim3A_313, %broadcast_in_dim3A_356 : vector<256x1xf32>
    %select_n3A_402 = arith.select %gt3A_401, %broadcast_in_dim3A_356, %broadcast_in_dim3A_313 : vector<256x1xi1>, vector<256x1xf32>
    %select_n3A_403 = arith.select %gt3A_401, %broadcast_in_dim3A_313, %broadcast_in_dim3A_356 : vector<256x1xi1>, vector<256x1xf32>
    %select_n3A_404 = arith.select %gt3A_401, %div3A_385, %div3A_342 : vector<256x1xi1>, vector<256x1xf32>
    %select_n3A_405 = arith.select %gt3A_401, %div3A_342, %div3A_385 : vector<256x1xi1>, vector<256x1xf32>
    %gt3A_406 = arith.cmpf ogt, %select_n3A_387, %select_n3A_392 : vector<256x1xf32>
    %select_n3A_407 = arith.select %gt3A_406, %select_n3A_392, %select_n3A_387 : vector<256x1xi1>, vector<256x1xf32>
    %select_n3A_408 = arith.select %gt3A_406, %select_n3A_387, %select_n3A_392 : vector<256x1xi1>, vector<256x1xf32>
    %select_n3A_409 = arith.select %gt3A_406, %select_n3A_394, %select_n3A_389 : vector<256x1xi1>, vector<256x1xf32>
    %select_n3A_410 = arith.select %gt3A_406, %select_n3A_389, %select_n3A_394 : vector<256x1xi1>, vector<256x1xf32>
    %gt3A_411 = arith.cmpf ogt, %select_n3A_388, %select_n3A_393 : vector<256x1xf32>
    %select_n3A_412 = arith.select %gt3A_411, %select_n3A_393, %select_n3A_388 : vector<256x1xi1>, vector<256x1xf32>
    %select_n3A_413 = arith.select %gt3A_411, %select_n3A_388, %select_n3A_393 : vector<256x1xi1>, vector<256x1xf32>
    %select_n3A_414 = arith.select %gt3A_411, %select_n3A_395, %select_n3A_390 : vector<256x1xi1>, vector<256x1xf32>
    %select_n3A_415 = arith.select %gt3A_411, %select_n3A_390, %select_n3A_395 : vector<256x1xi1>, vector<256x1xf32>
    %gt3A_416 = arith.cmpf ogt, %select_n3A_397, %select_n3A_402 : vector<256x1xf32>
    %select_n3A_417 = arith.select %gt3A_416, %select_n3A_402, %select_n3A_397 : vector<256x1xi1>, vector<256x1xf32>
    %select_n3A_418 = arith.select %gt3A_416, %select_n3A_397, %select_n3A_402 : vector<256x1xi1>, vector<256x1xf32>
    %select_n3A_419 = arith.select %gt3A_416, %select_n3A_404, %select_n3A_399 : vector<256x1xi1>, vector<256x1xf32>
    %select_n3A_420 = arith.select %gt3A_416, %select_n3A_399, %select_n3A_404 : vector<256x1xi1>, vector<256x1xf32>
    %gt3A_421 = arith.cmpf ogt, %select_n3A_398, %select_n3A_403 : vector<256x1xf32>
    %select_n3A_422 = arith.select %gt3A_421, %select_n3A_403, %select_n3A_398 : vector<256x1xi1>, vector<256x1xf32>
    %select_n3A_423 = arith.select %gt3A_421, %select_n3A_398, %select_n3A_403 : vector<256x1xi1>, vector<256x1xf32>
    %select_n3A_424 = arith.select %gt3A_421, %select_n3A_405, %select_n3A_400 : vector<256x1xi1>, vector<256x1xf32>
    %select_n3A_425 = arith.select %gt3A_421, %select_n3A_400, %select_n3A_405 : vector<256x1xi1>, vector<256x1xf32>
    %gt3A_426 = arith.cmpf ogt, %select_n3A_412, %select_n3A_408 : vector<256x1xf32>
    %select_n3A_427 = arith.select %gt3A_426, %select_n3A_408, %select_n3A_412 : vector<256x1xi1>, vector<256x1xf32>
    %select_n3A_428 = arith.select %gt3A_426, %select_n3A_412, %select_n3A_408 : vector<256x1xi1>, vector<256x1xf32>
    %select_n3A_429 = arith.select %gt3A_426, %select_n3A_410, %select_n3A_414 : vector<256x1xi1>, vector<256x1xf32>
    %select_n3A_430 = arith.select %gt3A_426, %select_n3A_414, %select_n3A_410 : vector<256x1xi1>, vector<256x1xf32>
    %gt3A_431 = arith.cmpf ogt, %select_n3A_422, %select_n3A_418 : vector<256x1xf32>
    %select_n3A_432 = arith.select %gt3A_431, %select_n3A_418, %select_n3A_422 : vector<256x1xi1>, vector<256x1xf32>
    %select_n3A_433 = arith.select %gt3A_431, %select_n3A_422, %select_n3A_418 : vector<256x1xi1>, vector<256x1xf32>
    %select_n3A_434 = arith.select %gt3A_431, %select_n3A_420, %select_n3A_424 : vector<256x1xi1>, vector<256x1xf32>
    %select_n3A_435 = arith.select %gt3A_431, %select_n3A_424, %select_n3A_420 : vector<256x1xi1>, vector<256x1xf32>
    %gt3A_436 = arith.cmpf ogt, %select_n3A_407, %select_n3A_417 : vector<256x1xf32>
    %select_n3A_437 = arith.select %gt3A_436, %select_n3A_417, %select_n3A_407 : vector<256x1xi1>, vector<256x1xf32>
    %select_n3A_438 = arith.select %gt3A_436, %select_n3A_407, %select_n3A_417 : vector<256x1xi1>, vector<256x1xf32>
    %select_n3A_439 = arith.select %gt3A_436, %select_n3A_419, %select_n3A_409 : vector<256x1xi1>, vector<256x1xf32>
    %select_n3A_440 = arith.select %gt3A_436, %select_n3A_409, %select_n3A_419 : vector<256x1xi1>, vector<256x1xf32>
    %gt3A_441 = arith.cmpf ogt, %select_n3A_427, %select_n3A_432 : vector<256x1xf32>
    %select_n3A_442 = arith.select %gt3A_441, %select_n3A_432, %select_n3A_427 : vector<256x1xi1>, vector<256x1xf32>
    %select_n3A_443 = arith.select %gt3A_441, %select_n3A_427, %select_n3A_432 : vector<256x1xi1>, vector<256x1xf32>
    %select_n3A_444 = arith.select %gt3A_441, %select_n3A_434, %select_n3A_429 : vector<256x1xi1>, vector<256x1xf32>
    %select_n3A_445 = arith.select %gt3A_441, %select_n3A_429, %select_n3A_434 : vector<256x1xi1>, vector<256x1xf32>
    %gt3A_446 = arith.cmpf ogt, %select_n3A_428, %select_n3A_433 : vector<256x1xf32>
    %select_n3A_447 = arith.select %gt3A_446, %select_n3A_433, %select_n3A_428 : vector<256x1xi1>, vector<256x1xf32>
    %select_n3A_448 = arith.select %gt3A_446, %select_n3A_428, %select_n3A_433 : vector<256x1xi1>, vector<256x1xf32>
    %select_n3A_449 = arith.select %gt3A_446, %select_n3A_435, %select_n3A_430 : vector<256x1xi1>, vector<256x1xf32>
    %select_n3A_450 = arith.select %gt3A_446, %select_n3A_430, %select_n3A_435 : vector<256x1xi1>, vector<256x1xf32>
    %gt3A_451 = arith.cmpf ogt, %select_n3A_413, %select_n3A_423 : vector<256x1xf32>
    %select_n3A_452 = arith.select %gt3A_451, %select_n3A_423, %select_n3A_413 : vector<256x1xi1>, vector<256x1xf32>
    %select_n3A_453 = arith.select %gt3A_451, %select_n3A_413, %select_n3A_423 : vector<256x1xi1>, vector<256x1xf32>
    %select_n3A_454 = arith.select %gt3A_451, %select_n3A_425, %select_n3A_415 : vector<256x1xi1>, vector<256x1xf32>
    %select_n3A_455 = arith.select %gt3A_451, %select_n3A_415, %select_n3A_425 : vector<256x1xi1>, vector<256x1xf32>
    %gt3A_456 = arith.cmpf ogt, %select_n3A_447, %select_n3A_438 : vector<256x1xf32>
    %select_n3A_457 = arith.select %gt3A_456, %select_n3A_438, %select_n3A_447 : vector<256x1xi1>, vector<256x1xf32>
    %select_n3A_458 = arith.select %gt3A_456, %select_n3A_447, %select_n3A_438 : vector<256x1xi1>, vector<256x1xf32>
    %select_n3A_459 = arith.select %gt3A_456, %select_n3A_440, %select_n3A_449 : vector<256x1xi1>, vector<256x1xf32>
    %select_n3A_460 = arith.select %gt3A_456, %select_n3A_449, %select_n3A_440 : vector<256x1xi1>, vector<256x1xf32>
    %gt3A_461 = arith.cmpf ogt, %select_n3A_452, %select_n3A_443 : vector<256x1xf32>
    %select_n3A_462 = arith.select %gt3A_461, %select_n3A_443, %select_n3A_452 : vector<256x1xi1>, vector<256x1xf32>
    %select_n3A_463 = arith.select %gt3A_461, %select_n3A_452, %select_n3A_443 : vector<256x1xi1>, vector<256x1xf32>
    %select_n3A_464 = arith.select %gt3A_461, %select_n3A_445, %select_n3A_454 : vector<256x1xi1>, vector<256x1xf32>
    %select_n3A_465 = arith.select %gt3A_461, %select_n3A_454, %select_n3A_445 : vector<256x1xi1>, vector<256x1xf32>
    %gt3A_466 = arith.cmpf ogt, %select_n3A_442, %select_n3A_457 : vector<256x1xf32>
    %select_n3A_467 = arith.select %gt3A_466, %select_n3A_457, %select_n3A_442 : vector<256x1xi1>, vector<256x1xf32>
    %select_n3A_468 = arith.select %gt3A_466, %select_n3A_442, %select_n3A_457 : vector<256x1xi1>, vector<256x1xf32>
    %select_n3A_469 = arith.select %gt3A_466, %select_n3A_459, %select_n3A_444 : vector<256x1xi1>, vector<256x1xf32>
    %select_n3A_470 = arith.select %gt3A_466, %select_n3A_444, %select_n3A_459 : vector<256x1xi1>, vector<256x1xf32>
    %gt3A_471 = arith.cmpf ogt, %select_n3A_462, %select_n3A_458 : vector<256x1xf32>
    %select_n3A_472 = arith.select %gt3A_471, %select_n3A_458, %select_n3A_462 : vector<256x1xi1>, vector<256x1xf32>
    %select_n3A_473 = arith.select %gt3A_471, %select_n3A_462, %select_n3A_458 : vector<256x1xi1>, vector<256x1xf32>
    %select_n3A_474 = arith.select %gt3A_471, %select_n3A_460, %select_n3A_464 : vector<256x1xi1>, vector<256x1xf32>
    %select_n3A_475 = arith.select %gt3A_471, %select_n3A_464, %select_n3A_460 : vector<256x1xi1>, vector<256x1xf32>
    %gt3A_476 = arith.cmpf ogt, %select_n3A_463, %select_n3A_448 : vector<256x1xf32>
    %select_n3A_477 = arith.select %gt3A_476, %select_n3A_448, %select_n3A_463 : vector<256x1xi1>, vector<256x1xf32>
    %select_n3A_478 = arith.select %gt3A_476, %select_n3A_463, %select_n3A_448 : vector<256x1xi1>, vector<256x1xf32>
    %select_n3A_479 = arith.select %gt3A_476, %select_n3A_450, %select_n3A_465 : vector<256x1xi1>, vector<256x1xf32>
    %select_n3A_480 = arith.select %gt3A_476, %select_n3A_465, %select_n3A_450 : vector<256x1xi1>, vector<256x1xf32>
    %concatenate3A = tpu.concatenate %select_n3A_439, %select_n3A_469, %select_n3A_470, %select_n3A_474, %select_n3A_475, %select_n3A_479, %select_n3A_480, %select_n3A_455, %select_n3A_437, %select_n3A_467, %select_n3A_468, %select_n3A_472, %select_n3A_473, %select_n3A_477, %select_n3A_478, %select_n3A_453 in 1 : vector<256x1xf32>, vector<256x1xf32>, vector<256x1xf32>, vector<256x1xf32>, vector<256x1xf32>, vector<256x1xf32>, vector<256x1xf32>, vector<256x1xf32>, vector<256x1xf32>, vector<256x1xf32>, vector<256x1xf32>, vector<256x1xf32>, vector<256x1xf32>, vector<256x1xf32>, vector<256x1xf32>, vector<256x1xf32> -> vector<256x16xf32>
    %swap3A = arith.constant 0 : index
    %swap3A_481 = arith.constant 0 : index
    %swap3A_482 = arith.constant 0 : index
    %swap3A_483 = vector.load %arg9[%swap3A, %swap3A_481, %swap3A_482] : memref<1x256x16xf32, #tpu.memory_space<vmem>>, vector<1x256x16xf32>
    %swap3A_484 = vector.shape_cast %swap3A_483 : vector<1x256x16xf32> to vector<256x16xf32>
    %swap3A_485 = vector.shape_cast %concatenate3A : vector<256x16xf32> to vector<1x256x16xf32>
    tpu.vector_store %arg9[%swap3A, %swap3A_481, %swap3A_482], %swap3A_485 {strides = array<i32>} : memref<1x256x16xf32, #tpu.memory_space<vmem>>, vector<1x256x16xf32>,
    return
  }
  func.func @transform_0(%arg0: i32) -> (i32, i32, i32) {
    %c0_i32 = arith.constant 0 : i32
    %c0_i32_0 = arith.constant 0 : i32
    %c0_i32_1 = arith.constant 0 : i32
    return %arg0, %c0_i32, %c0_i32_0 : i32, i32, i32
  }
  func.func @transform_1(%arg0: i32) -> (i32, i32, i32) {
    %c0_i32 = arith.constant 0 : i32
    %c0_i32_0 = arith.constant 0 : i32
    %c0_i32_1 = arith.constant 0 : i32
    return %arg0, %c0_i32, %c0_i32_0 : i32, i32, i32
  }
  func.func @transform_2(%arg0: i32) -> (i32, i32, i32) {
    %c0_i32 = arith.constant 0 : i32
    %c0_i32_0 = arith.constant 0 : i32
    %c0_i32_1 = arith.constant 0 : i32
    return %arg0, %c0_i32, %c0_i32_0 : i32, i32, i32
  }
  func.func @transform_3(%arg0: i32) -> (i32, i32, i32) {
    %c0_i32 = arith.constant 0 : i32
    %c0_i32_0 = arith.constant 0 : i32
    %c0_i32_1 = arith.constant 0 : i32
    return %arg0, %c0_i32, %c0_i32_0 : i32, i32, i32
  }
  func.func @transform_4(%arg0: i32) -> (i32, i32, i32) {
    %c0_i32 = arith.constant 0 : i32
    %c0_i32_0 = arith.constant 0 : i32
    %c0_i32_1 = arith.constant 0 : i32
    return %arg0, %c0_i32, %c0_i32_0 : i32, i32, i32
  }
  func.func @transform_5(%arg0: i32) -> (i32, i32) {
    %c0_i32 = arith.constant 0 : i32
    %c0_i32_0 = arith.constant 0 : i32
    %c0_i32_1 = arith.constant 0 : i32
    return %c0_i32, %c0_i32_0 : i32, i32
  }
  func.func @transform_6(%arg0: i32) -> (i32, i32) {
    %c0_i32 = arith.constant 0 : i32
    %c0_i32_0 = arith.constant 0 : i32
    %c0_i32_1 = arith.constant 0 : i32
    return %c0_i32, %c0_i32_0 : i32, i32
  }
  func.func @transform_7(%arg0: i32) -> (i32, i32) {
    %c0_i32 = arith.constant 0 : i32
    %c0_i32_0 = arith.constant 0 : i32
    %c0_i32_1 = arith.constant 0 : i32
    return %c0_i32, %c0_i32_0 : i32, i32
  }
  func.func @transform_8(%arg0: i32) -> (i32, i32, i32) {
    %c0_i32 = arith.constant 0 : i32
    %c0_i32_0 = arith.constant 0 : i32
    %c0_i32_1 = arith.constant 0 : i32
    return %arg0, %c0_i32, %c0_i32_0 : i32, i32, i32
  }
}

</mosaic_0001>

<sc_bundles>
// kernel: gather_offload_async_start.1
scs
__scs_entry_jumppad:
0x0: {  	(pc) =	sbr.rel $0x88, $3  }
0x1: {  	(tag) =	ssettag $0x0;
	lr =	simm.s32 $0x1  }
0x2: {  	[smem:$0x3F97] =	sst lr;
	_ =	strace $0xD0000000  }
0x3: {  	_ = 	snop  }
0x4: {  	_ = 	snop  }
0x5: {  	_ = 	snop  }
0x6: {  	_ = 	snop  }
0x7: {  	_ = 	snop  }
__scs_overlays_trampoline_lowered:
0x8: {  	[smem:$0x3FA6] =	sst s0  }
0x9: {  	[smem:$0x3FA7] =	sst s1  }
0xa: {  	[smem:$0x3FA8] =	sst s2  }
0xb: {  	[smem:$0x3FA9] =	sst s3  }
0xc: {  	[smem:$0x3FAA] =	sst s4  }
0xd: {  	[smem:$0x3FAB] =	sst s5  }
0xe: {  	[smem:$0x3FAC] =	sst s6  }
0xf: {  	[smem:$0x3FAD] =	sst s7  }
0x10: {  	[smem:$0x3FAE] =	sst s8  }
0x11: {  	[smem:$0x3FAF] =	sst s9;
	s0 =	simm.s32 @!p0 $0x0  }
0x12: {  	s1 =	sld [smem:$0x3F95];
	s0 =	simm.s32 @p0 $0x1  }
0x13: {  	[smem:$0x3FB0] =	sst s0;
	s0 =	simm.s32 @!p1 $0x0  }
0x14: {  	s2 =	sld [smem:$0x3F94];
	s0 =	simm.s32 @p1 $0x1  }
0x15: {  	[smem:$0x3FB1] =	sst s0;
	s0 =	simm.s32 @!p2 $0x0  }
0x16: {  	s3 =	sld [smem:$0x3FDB];
	s0 =	simm.s32 @p2 $0x1  }
0x17: {  	s4 =	simm.s32 $0x1BF5;
	[smem:$0x3FB3] =	sst s0  }
0x18: {  	s0 =	sld [smem:$0x3F96];
	_ =	swait.ge [sflag:s4], $0x0  }
0x19: {  	s7 =	sld [smem:$0x3F97]  }
0x1a: {  	s8 =	sadd.s32 $0xFFFFE003, lr  }
0x1b: {  	s9 =	sadd.s32 $0xFFFFFEF7, lr;
	s5 =	simm.s32 $0xFFFFFFFF;
	p2 =	slt.u32 s8, $0xFFFFF086  }
0x1c: {  	p1 =	slt.u32 s9, $0xF7A;
	s5 =	simm.s32 @!p2 $0x0  }
0x1d: {  	s5 =	simm.s32 @p1 $0x1;
	p0 =	seq.s32 s7, s2  }
0x1e: {  	s7 =	smul.u32 @!p0 $0xF7A, s2;
	p2 =	seq.s32 @!p0 s5, $0x0  }
0x1f: {  	s9 =	smul.u32 $0xF7A, s1;
	s8 =	simm.s32 @!p0 $0x1BF5;
	p2 =	por !p2, p0  }
0x20: {  	[sflag:s8] =	ssyncset.s32 @!p0 $0xFFFFF086;
	s6 =	sadd.s32 @!p0 s3, s7;
	s7 =	simm.s32 @!p0 $0x108  }
0x21: {  	s3 =	sadd.s32 s3, s9;
	s6 =	sadd.s32 @!p0 $0x88, s6;
	s7 =	simm.s32 @p2 $0x1082  }
0x22: {  	[simem:s7], [sflag:s8] =	dma.local @!p0 [hbm:s6], $0xF7A  }
0x23: {  	s9 =	sor.u32 $0xD0000000, s2;
	s6 =	simm.s32 $0x108;
	_ =	swait.ge @!p0 [sflag:s8], $0x0  }
0x24: {  	s3 =	sadd.s32 $0x88, s3;
	s6 =	simm.s32 @!p1 $0x1082;
	[sflag:s4] =	ssyncset.s32 $0xFFFFF086  }
0x25: {  	[simem:s6], [sflag:s4] =	dma.local [hbm:s3], $0xF7A  }
0x26: {  	[smem:$0x3F97] =	sst s1;
	(tag) =	ssettag s2;
	_ =	strace s9  }
0x27: {  	s1 =	sld [smem:$0x3FA7]  }
0x28: {  	s2 =	sld [smem:$0x3FA8]  }
0x29: {  	s4 =	sld [smem:$0x3FAA]  }
0x2a: {  	p0 =	seq.s32 s5, $0x0;
	s5 =	sld [smem:$0x3FAB]  }
0x2b: {  	s6 =	sld [smem:$0x3FAC]  }
0x2c: {  	s7 =	sld [smem:$0x3FAD]  }
0x2d: {  	s3 =	simm.s32 $0x108;
	s8 =	sld [smem:$0x3FAE]  }
0x2e: {  	s3 =	simm.s32 @!p0 $0x1082;
	s9 =	sld [smem:$0x3FAF]  }
0x2f: {  	lr =	sadd.s32 s0, s3;
	s0 =	sld [smem:$0x3FA6]  }
0x30: {  	s3 =	sld [smem:$0x3FA9]  }
0x31: {  	[smem:$0x3FB2] =	sst s10  }
0x32: {  	s10 =	sld [smem:$0x3FB0];
	_ =	sdelay $0x3  }
0x33: {  	p0 =	seq.s32 s10, $0x1;
	s10 =	sld [smem:$0x3FB2];
	_ =	sdelay $0x3  }
0x34: {  	[smem:$0x3FB2] =	sst s10  }
0x35: {  	s10 =	sld [smem:$0x3FB1];
	_ =	sdelay $0x3  }
0x36: {  	p1 =	seq.s32 s10, $0x1;
	s10 =	sld [smem:$0x3FB2];
	_ =	sdelay $0x3  }
0x37: {  	[smem:$0x3FB2] =	sst s10  }
0x38: {  	s10 =	sld [smem:$0x3FB3]  }
0x39: {  	_ = 	snop;
	(pc) =	sbr.ind lr, $3  }
0x3a: {  	_ = 	snop  }
0x3b: {  	_ = 	snop  }
0x3c: {  	p2 =	seq.s32 s10, $0x1;
	s10 =	sld [smem:$0x3FB2]  }
0x3d: {  	_ =	shalt  }
0x3e: {  	_ =	shalt  }
0x3f: {  	_ =	shalt  }
0x40: {  	_ =	shalt  }
0x41: {  	_ =	shalt  }
0x42: {  	_ =	shalt  }
0x43: {  	_ =	shalt  }
0x44: {  	_ =	shalt  }
0x45: {  	_ =	shalt  }
0x46: {  	_ =	shalt  }
0x47: {  	_ =	shalt  }
0x48: {  	_ =	shalt  }
0x49: {  	_ =	shalt  }
0x4a: {  	_ =	shalt  }
0x4b: {  	_ =	shalt  }
0x4c: {  	_ =	shalt  }
0x4d: {  	_ =	shalt  }
0x4e: {  	_ =	shalt  }
0x4f: {  	_ =	shalt  }
0x50: {  	_ =	shalt  }
0x51: {  	_ =	shalt  }
0x52: {  	_ =	shalt  }
0x53: {  	_ =	shalt  }
0x54: {  	_ =	shalt  }
0x55: {  	_ =	shalt  }
0x56: {  	_ =	shalt  }
0x57: {  	_ =	shalt  }
0x58: {  	_ =	shalt  }
0x59: {  	_ =	shalt  }
0x5a: {  	_ =	shalt  }
0x5b: {  	_ =	shalt  }
0x5c: {  	_ =	shalt  }
0x5d: {  	_ =	shalt  }
0x5e: {  	_ =	shalt  }
0x5f: {  	_ =	shalt  }
0x60: {  	_ =	shalt  }
0x61: {  	_ =	shalt  }
0x62: {  	_ =	shalt  }
0x63: {  	_ =	shalt  }
0x64: {  	_ =	shalt  }
0x65: {  	_ =	shalt  }
0x66: {  	_ =	shalt  }
0x67: {  	_ =	shalt  }
0x68: {  	_ =	shalt  }
0x69: {  	_ =	shalt  }
0x6a: {  	_ =	shalt  }
0x6b: {  	_ =	shalt  }
0x6c: {  	_ =	shalt  }
0x6d: {  	_ =	shalt  }
0x6e: {  	_ =	shalt  }
0x6f: {  	_ =	shalt  }
0x70: {  	_ =	shalt  }
0x71: {  	_ =	shalt  }
0x72: {  	_ =	shalt  }
0x73: {  	_ =	shalt  }
0x74: {  	_ =	shalt  }
0x75: {  	_ =	shalt  }
0x76: {  	_ =	shalt  }
0x77: {  	_ =	shalt  }
0x78: {  	_ =	shalt  }
0x79: {  	_ =	shalt  }
0x7a: {  	_ =	shalt  }
0x7b: {  	_ =	shalt  }
0x7c: {  	_ =	shalt  }
0x7d: {  	_ =	shalt  }
0x7e: {  	_ =	shalt  }
0x7f: {  	_ =	shalt  }
0x80: {  	_ =	shalt  }
0x81: {  	_ =	shalt  }
0x82: {  	_ =	shalt  }
0x83: {  	_ =	shalt  }
0x84: {  	_ =	shalt  }
0x85: {  	_ =	shalt  }
0x86: {  	_ =	shalt  }
0x87: {  	_ =	shalt  }
.Lfunc_end0:
.L_simem_size_0:
called_computation.2_lowered:
.L_overlay_start_0:
0x88: {  	s2 =	sld [smem:$0x3FD9]  }
0x89: {  	s3 =	sld [smem:$0x3FFE];
	_ =	sdelay $0x1  }
0x8a: {  	s1 =	srdreg.scid  }
0x8b: {  	s0 =	sand.u32 $0x1, s1  }
0x8c: {  	s15 =	sshll.u32 s0, $0xA;
	s2 =	sadd.s32 s3, s2  }
0x8d: {  	s2 =	sadd.s32 s2, s15  }
0x8e: {  	[smem:$0x3FBE] =	sst s2  }
0x8f: {  	_ = 	snop  }
0x90: {  	s2 =	sld [smem:$0x3FD0];
	_ =	sdelay $0x2  }
0x91: {  	s16 =	simm.s32 $0xD;
	s4 =	simm.s32 $0x10  }
0x92: {  	[smem:s4], [sflag:s16] =	dma.local [hbm:s2], $0x1  }
0x93: {  	_ =	swait.eq [sflag:s16], $0x1  }
0x94: {  	[sflag:s16] =	ssyncset.done $0x0  }
0x95: {  	[sflag:s16] =	ssyncadd.s32 $0xFFFFFFFF  }
0x96: {  	s17 =	sld [smem:$0x11];
	(tm) =	ssettm $0x1  }
0x97: {  	s18 =	sld [smem:$0x3FFB];
	_ =	sdelay $0x3  }
0x98: {  	_ =	strace s18  }
0x99: {  	s2 =	sld [smem:$0x3FFC];
	_ =	sdelay $0x3  }
0x9a: {  	_ =	strace s2  }
0x9b: {  	s2 =	sld [smem:$0x3FFD];
	_ =	sdelay $0x3  }
0x9c: {  	_ =	strace s2  }
0x9d: {  	_ =	strace $0x8FFFFFFF  }
0x9e: {  	s19 =	sld [smem:$0x3FDB];
	_ =	sdelay $0x1  }
0x9f: {  	s20 =	simm.s32 $_scs_section_size  }
0xa0: {  	s5 =	simm.s32 $_size__tile_overlayer_lowered;
	s6 =	simm.s32 $_tile_overlayer_lowered  }
0xa1: {  	s7 =	simm.s32 $0x1BFF;
	s21 =	sshll.u32 s6, $0x1;
	s4 =	sadd.s32 s20, s19  }
0xa2: {  	s22 =	simm.s32 $0x0;
	s5 =	sshll.u32 s5, $0x1;
	s6 =	sadd.s32 s21, s4  }
0xa3: {  	[timem:s22], [sflag:s7] =	dma.local [hbm:s6], s5  }
0xa4: {  	_ =	swait.ge [sflag:s7], s5  }
0xa5: {  	s5 =	ssub.s32 $0x0, s5;
	[sflag:s7] =	ssyncset.done $0x0  }
0xa6: {  	[sflag:s7] =	ssyncadd.s32 s5;
	_ =	sdelay $0x1  }
0xa7: {  	s23 =	simm.s32 $0x1B8B  }
0xa8: {  	_ =	swait.ge [sflag:s23], $0x1  }
0xa9: {  	[sflag:s23] =	ssyncset.done $0x0  }
0xaa: {  	[sflag:s23] =	ssyncadd.s32 $0xFFFFFFFF  }
0xab: {  	s5 =	sld [smem:$0x0]  }
0xac: {  	s6 =	sand.u32 $0xFFFFFFFE, s1  }
0xad: {  	p0 =	sne.s32 s1, s6  }
0xae: {  	s6 =	sshll.u32 @p0 s6, $0xE  }
0xaf: {  	s6 =	sadd.s32 @p0 $0x11B8D, s6;
	s7 =	sshll.u32 @p0 s5, $0x11  }
0xb0: {  	s6 =	sor.u32 @p0 s7, s6  }
0xb1: {  	[sflag:s6] =	ssyncadd.remote.s32 @p0 $0x1;
	_ =	sdelay $0x1  }
0xb2: {  	s6 =	simm.s32 @p0 $0x1B8D  }
0xb3: {  	_ =	swait.eq @p0 [sflag:s6], $0x1  }
0xb4: {  	[sflag:s6] =	ssyncadd.s32 @p0 $0xFFFFFFFF  }
0xb5: {  	s7 =	sshll.u32 @!p0 s1, $0xE  }
0xb6: {  	s7 =	sor.u32 @!p0 $0x4000, s7;
	s6 =	simm.s32 @!p0 $0x1B8D  }
0xb7: {  	s5 =	sshll.u32 @!p0 s5, $0x11;
	s7 =	sadd.s32 @!p0 $0x11B8D, s7;
	_ =	swait.eq @!p0 [sflag:s6], $0x1  }
0xb8: {  	s5 =	sor.u32 @!p0 s5, s7;
	[sflag:s6] =	ssyncadd.s32 @!p0 $0xFFFFFFFF  }
0xb9: {  	s25 =	simm.s32 $0x1B8E;
	s24 =	sld [smem:$0x3FFE];
	[sflag:s5] =	ssyncadd.remote.s32 @!p0 $0x1  }
0xba: {  	s26 =	simm.s32 $execute0_lowered;
	[smem:$0x3FD2] =	sst s25  }
0xbb: {  	s6 =	sshll.u32 s26, $0x1;
	_ =	strace $0x8000004C;
	[dreg:$0x1] =	wrdreg $0xFFFFFFFF  }
0xbc: {  	s28 =	simm.s32 $_size_execute0_lowered;
	s4 =	sadd.s32 s4, s6;
	[dreg:$0x0] =	wrdreg $0x0  }
0xbd: {  	s6 =	sshll.u32 s28, $0x1;
	[dreg:$0x2] =	wrdreg s4  }
0xbe: {  	[dreg:$0x3] =	wrdreg s6  }
0xbf: {  	[dreg:$0x4] =	wrdreg $0xC0  }
0xc0: {  	_ =	task [dreg:s22], $0x5FFFF  }
0xc1: {  	[dreg:$0x1] =	wrdreg $0xFFFFFFFF  }
0xc2: {  	[dreg:$0x0] =	wrdreg $0x60  }
0xc3: {  	[dreg:$0x2] =	wrdreg s24  }
0xc4: {  	[dreg:$0x3] =	wrdreg s17  }
0xc5: {  	[dreg:$0x4] =	wrdreg $0xB  }
0xc6: {  	_ =	task.clear_ibuf [dreg:s22], $0x5FFFF;
	_ =	strace $0x9000004C  }
0xc7: {  	s29 =	simm.s32 $0xB;
	_ =	strace $0x8000004E  }
0xc8: {  	_ =	swait.ge [sflag:s29], $0x1  }
0xc9: {  	[sflag:s29] =	ssyncadd.s32 $0xFFFFFFFF  }
0xca: {  	_ =	strace $0x9000004E  }
0xcb: {  	_ =	sfence  }
0xcc: {  	s30 =	sld [smem:$0x0];
	_ =	sdelay $0x2  }
0xcd: {  	s31 =	sshll.u32 s1, $0xD;
	s1 =	sshrl.u32 s1, $0x2  }
0xce: {  	s4 =	sand.u32 $0x4000, s31;
	s1 =	sadd.s32 s1, s30  }
0xcf: {  	s0 =	sor.u32 s4, s0;
	s1 =	sshll.u32 s1, $0x11  }
0xd0: {  	s0 =	sor.u32 s1, s0  }
0xd1: {  	s0 =	sadd.s32 $0x8F2B, s0  }
0xd2: {  	[sflag:s0] =	ssyncadd.remote.s32 $0x1  }
0xd3: {  	_ =	sfence.sel $0xFFFF  }
0xd4: {  	[dreg:$0x0] =	wrdreg $0xFFFFFFFF;
	(pc) =	sbr.abs _section_cstart, $3  }
0xd5: {  	[dreg:$0x1] =	wrdreg $0xFFFFFFFF  }
0xd6: {  	_ =	task.clear_ibuf [dreg:s22], $0x2FFFF;
	_ =	strace $0x9FFFFFFF  }
0xd7: {  	(tm) =	ssettm $0x7FFFFFFF  }
tec
execute0_lowered:
.L_overlay_start_1:
0x0: {  	(tag) =	ssettag $0x1  }
0x1: {  	s2 =	rddreg [dreg:$0x0]  }
0x2: {  	s3 =	rddreg [dreg:$0x1]  }
0x3: {  	s0 =	rddreg [dreg:$0x2];
	s1 =	srdreg.scid;
	_ =	strace $0x8000004D  }
0x4: {  	s4 =	simm.s32 $0x1;
	s9 =	simm.s32 $0x3;
	s5 =	sshll.u32 s1, $0x4  }
.Ltmp0:
0x5: {  	s1 =	stileid.u32;
	s5 =	sand.u32 $0x10, s5;
	(pc) =	sbr.rel .LBB2_1-.Ltmp0, $4  }
0x6: {  	s11 =	simm.s32 $0x0;
	p0 =	por $0x0, $0x0;
	s6 =	sor.u32 s1, s5  }
0x7: {  	[sflag:s4] =	ssyncpa.u1 $0x0;
	s5 =	simm.s32 $0x2;
	s6 =	sshll.u32 s6, $0xA  }
0x8: {  	s7 =	sadd.s32 $0x381000, s2;
	[sflag:s5] =	ssyncpa.u1 $0x0;
	s8 =	sadd.s32 $0x400, s6  }
0x9: {  	vm0 =	vmmov $0xff;
	vm1 =	vcmask $0x3F20;
	[sflag:s9] =	ssyncpa.u1 $0x0;
	s10 =	smov.u32 s6;
	s9 =	simm.s32 $0x0  }
.LBB2_7:
0xa: {  	p1 =	slt.u32 s9, $0x2;
	s11 =	sadd.s32 $0x100, s10  }
0xb: {  	s13 =	smov.u32 s6;
	s9 =	sadd.s32 $0x1, s9;
	p2 =	slt.s32 s11, s8  }
0xc: {  	s13 =	smov.u32 @p2 s11;
	p2 =	sne.s32 s9, $0x6  }
.Ltmp1:
0xd: {  	_ = 	snop;
	(pc) =	sbr.rel @!p2 .LBB2_8-.Ltmp1, $4  }
0xe: {  	s12 =	simm.s32 @!p1 $0x3  }
0xf: {  	_ =	swait.ge @!p1 [sflag:s12], $0x8000  }
0x10: {  	p0 =	por !p0, !p0;
	[sflag:s12] =	ssyncset.done @!p1 $0x0  }
0x11: {  	s11 =	smov.u32 s10;
	s10 =	smov.u32 s13;
	[sflag:s12] =	ssyncadd.s32 @!p1 $0xFFFF8000  }
.LBB2_1:
0x12: {  	p1 =	sgt.u32 s9, $0x3  }
0x13: {  	s12 =	sxor.u32 @!p1 $0xFFFFFFFF, s9  }
0x14: {  	s13 =	sshrl.u32 @!p1 s10, $0x3;
	s12 =	sshll.u32 @!p1 s12, $0x8  }
0x15: {  	s14 =	sand.u32 @!p1 $0x7, s10;
	s13 =	sadd.s32 @!p1 s3, s13;
	s12 =	sand.u32 @!p1 $0x100, s12  }
0x16: {  	[tilespmem:s12], [sflag:$0x2] =	stream.linear.gather @!p1 [hbm4b:s13+s14], $0x100, $0x38;
	[tilespmem:$0x10200] =	vst v63  }
0x17: {  	p1 =	seq.s32 s9, $0x0  }
0x18: {  	p2 =	seq.s32 @!p1 s9, $0x5  }
0x19: {  	p1 =	por p1, p2  }
.Ltmp2:
0x1a: {  	_ = 	snop;
	(pc) =	sbr.rel @p1 .LBB2_7-.Ltmp2, $1  }
0x1b: {  	_ =	sdelay $0x3  }
0x1c: {  	s12 =	simm.s32 $0x1  }
0x1d: {  	_ =	swait.ge [sflag:s5], $0x100;
	s12 =	simm.s32 @!p0 $0x0  }
0x1e: {  	[sflag:s5] =	ssyncset.done $0x0;
	s14 =	sshll.u32 s12, $0x8  }
0x1f: {  	[sflag:s5] =	ssyncadd.s32 $0xFFFFFF00;
	s13 =	sadd.s32 $0x0, s14  }
0x20: {  	v0 =	vld.msk [tilespmem:s13+$0x0 ss:$0x1], $0xffff;
	_ =	sdelay $0x4  }
0x21: {  	v1 =	vshll.u32 v0, $0x5  }
0x22: {  	vm2 =	veq.s32 v0, $0x80000000;
	v0 =	vshll.u32 v0, $0x14;
	v1 =	vand.u32 $0xFFF80, v1  }
0x23: {  	v0 =	vand.u32 $0x300000, v0;
	v1 =	vsel vm2, $0xFFFFFF80, v1  }
0x24: {  	v0 =	vsel vm2, $0xFFF00000, v0;
	v2 =	vand.u32 $0xFFFFFC00, v1  }
0x25: {  	v1 =	vand.u32 $0x380, v1;
	v0 =	vadd.s32 v0, v2  }
0x26: {  	v0 =	vor.u32 v1, v0  }
0x27: {  	v0 =	vshrl.u32 v0, $0x3;
	_ =	sdelay $0x2  }
0x28: {  	s12 =	sshll.u32 s12, $0xF  }
0x29: {  	s12 =	sor.u32 $0x200, s12  }
0x2a: {  	[tilespmem:s12], [sflag:$0x1] =	stream.indirect_vreg.gather [hbm:s2], $0x80, v0, vm0, $0x38;
	[tilespmem:$0x10200] =	vst v63  }
0x2b: {  	s15 =	sadd.s32 $0x10, s14;
	s13 =	sadd.s32 $0x400, s12  }
0x2c: {  	[tilespmem:s13], [sflag:$0x1] =	stream.indirect_vreg.gather [hbm:s2], $0x80, v0, vm1, $0x38;
	[tilespmem:$0x10200] =	vst v63  }
0x2d: {  	s16 =	simm.s32 $0x80;
	v0 =	vld.msk [tilespmem:s15+$0x0 ss:$0x1], $0xffff;
	s15 =	smov.u32 s12  }
.LBB2_3:
0x2e: {  	p1 =	sne.s32 s16, $0x3C0;
	_ =	sdelay $0x4  }
0x2f: {  	v1 =	vshll.u32 v0, $0x5  }
0x30: {  	vm2 =	veq.s32 v0, $0x80000000;
	v0 =	vshll.u32 v0, $0x14;
	v1 =	vand.u32 $0xFFF80, v1  }
0x31: {  	v0 =	vand.u32 $0x300000, v0;
	v1 =	vsel vm2, $0xFFFFFF80, v1  }
0x32: {  	v0 =	vsel vm2, $0xFFF00000, v0;
	v2 =	vand.u32 $0xFFFFFC00, v1  }
0x33: {  	v1 =	vand.u32 $0x380, v1;
	v0 =	vadd.s32 v0, v2  }
0x34: {  	v0 =	vor.u32 v1, v0  }
0x35: {  	v0 =	vshrl.u32 v0, $0x3;
	_ =	sdelay $0x3  }
.Ltmp3:
0x36: {  	s17 =	sshra.s32 s16, $0x2;
	s15 =	sadd.s32 $0x800, s15;
	(pc) =	sbr.rel @p1 .LBB2_3-.Ltmp3, $4  }
0x37: {  	[tilespmem:s15], [sflag:$0x1] =	stream.indirect_vreg.gather [hbm:s2], $0x80, v0, vm0, $0x38;
	[tilespmem:$0x10200] =	vst v63  }
0x38: {  	s17 =	sadd.s32 s17, s14;
	s18 =	sadd.s32 $0x400, s15  }
0x39: {  	[tilespmem:s18], [sflag:$0x1] =	stream.indirect_vreg.gather [hbm:s2], $0x80, v0, vm1, $0x38;
	[tilespmem:$0x10200] =	vst v63  }
0x3a: {  	s16 =	sadd.s32 $0x40, s16;
	v0 =	vld.msk [tilespmem:s17+$0x0 ss:$0x1], $0xffff  }
0x3b: {  	_ =	sdelay $0x3  }
0x3c: {  	v1 =	vshll.u32 v0, $0x5  }
0x3d: {  	vm2 =	veq.s32 v0, $0x80000000;
	v63 =	vshll.u32 v0, $0x14;
	v1 =	vand.u32 $0xFFF80, v1  }
0x3e: {  	v0 =	vand.u32 $0x300000, v63;
	v1 =	vsel vm2, $0xFFFFFF80, v1  }
0x3f: {  	v0 =	vsel vm2, $0xFFF00000, v0;
	v2 =	vand.u32 $0xFFFFFC00, v1  }
0x40: {  	v1 =	vand.u32 $0x380, v1;
	v0 =	vadd.s32 v0, v2  }
0x41: {  	v0 =	vor.u32 v1, v0  }
0x42: {  	v0 =	vshrl.u32 v0, $0x3;
	_ =	sdelay $0x3  }
0x43: {  	s14 =	sadd.s32 $0x800, s15  }
0x44: {  	[tilespmem:s14], [sflag:$0x1] =	stream.indirect_vreg.gather [hbm:s2], $0x80, v0, vm0, $0x38;
	[tilespmem:$0x10200] =	vst v63  }
0x45: {  	s14 =	sadd.s32 $0x400, s14  }
0x46: {  	[tilespmem:s14], [sflag:$0x1] =	stream.indirect_vreg.gather [hbm:s2], $0x80, v0, vm1, $0x38;
	[tilespmem:$0x10200] =	vst v63  }
0x47: {  	s11 =	sshll.u32 s11, $0x4;
	_ =	swait.ge [sflag:s4], $0x8000  }
0x48: {  	s11 =	sadd.s32 s11, s7;
	[sflag:s4] =	ssyncset.done $0x0  }
0x49: {  	s15 =	sadd.s32 $0x0, s11;
	s14 =	simm.s32 $0x80;
	[sflag:s4] =	ssyncadd.s32 $0xFFFF8000  }
.LBB2_5:
0x4a: {  	[hbm:s15] =	stream.linear.scatter [tilespmem:s12], [sflag:$0x3], $0x400, $0x38;
	[tilespmem:$0x10200] =	vst v63  }
0x4b: {  	s15 =	smov.u32 s14;
	s12 =	smov.u32 s13;
	p1 =	sne.s32 s14, $0xF80  }
.Ltmp4:
0x4c: {  	s14 =	sadd.s32 $0x80, s14;
	(pc) =	sbr.rel @p1 .LBB2_5-.Ltmp4, $2  }
0x4d: {  	_ =	sdelay $0x2  }
0x4e: {  	s13 =	sadd.s32 $0x400, s13;
	s15 =	sadd.s32 s15, s11  }
.Ltmp5:
0x4f: {  	(pc) =	sbr.rel .LBB2_7-.Ltmp5, $2  }
0x50: {  	_ =	sdelay $0x2  }
0x51: {  	[hbm:s15] =	stream.linear.scatter [tilespmem:s12], [sflag:$0x3], $0x400, $0x38;
	[tilespmem:$0x10200] =	vst v63  }
.LBB2_8:
0x52: {  	_ =	sfence.sel $0x180000  }
0x53: {  	s2 =	simm.s32 $0x2;
	[bflag:$0x0] =	sbarrier.arrive $0xFFFF  }
0x54: {  	s30 =	simm.s32 $0x3;
	[sflag:s2] =	ssyncpa.u1 $0x1  }
0x55: {  	s31 =	simm.s32 $0x1;
	[sflag:s30] =	ssyncpa.u1 $0x1  }
0x56: {  	[sflag:s31] =	ssyncpa.u1 $0x1  }
0x57: {  	p0 =	sne.s32 s1, $0x0;
	_ =	strace $0x9000004D  }
0x58: {  	s0 =	sadd.s32 @!p0 $0x100000, s0;
	[bflag:$0x2] =	sbarrier.arrive $0xFFFF  }
0x59: {  	[sflag:s0] =	ssyncadd.tile.s32 @!p0 $0x1;
	_ =	shalt  }
.Lfunc_end2:
_tile_overlayer_lowered:
.L_overlay_start_2:
0x5a: {  	(tag) =	ssettag $0x2  }
0x5b: {  	s0 =	rddreg [dreg:$0x0];
	s2 =	stileid.u32  }
0x5c: {  	s1 =	rddreg [dreg:$0x1];
	p0 =	sne.s32 s2, $0x0  }
0x5d: {  	s3 =	rddreg [dreg:$0x2];
	[bflag:$0x3] =	sbarrier.arrive $0xFFFF;
	s2 =	simm.s32 @!p0 $0x1C01  }
0x5e: {  	[timem:s3], [sflag:s2] =	dma.local @!p0 [hbm:s0], s1  }
0x5f: {  	s0 =	simm.s32 @!p0 $0x1  }
0x60: {  	_ =	swait.ge @!p0 [sflag:s0], s1  }
0x61: {  	s1 =	ssub.s32 @!p0 $0x0, s1;
	[sflag:s0] =	ssyncset.done @!p0 $0x0  }
0x62: {  	[sflag:s0] =	ssyncadd.s32 @!p0 s1  }
0x63: {  	[bflag:$0x3] =	sbarrier.arrive $0xFFFF  }
0x64: {  	_ =	shalt  }

// kernel: gather_offload_async_start.2
scs
__scs_entry_jumppad:
0x0: {  	(pc) =	sbr.rel $0x88, $3  }
0x1: {  	(tag) =	ssettag $0x0;
	lr =	simm.s32 $0x1  }
0x2: {  	[smem:$0x3F97] =	sst lr;
	_ =	strace $0xD0000000  }
0x3: {  	_ = 	snop  }
0x4: {  	_ = 	snop  }
0x5: {  	_ = 	snop  }
0x6: {  	_ = 	snop  }
0x7: {  	_ = 	snop  }
__scs_overlays_trampoline_lowered:
0x8: {  	[smem:$0x3FA6] =	sst s0  }
0x9: {  	[smem:$0x3FA7] =	sst s1  }
0xa: {  	[smem:$0x3FA8] =	sst s2  }
0xb: {  	[smem:$0x3FA9] =	sst s3  }
0xc: {  	[smem:$0x3FAA] =	sst s4  }
0xd: {  	[smem:$0x3FAB] =	sst s5  }
0xe: {  	[smem:$0x3FAC] =	sst s6  }
0xf: {  	[smem:$0x3FAD] =	sst s7  }
0x10: {  	[smem:$0x3FAE] =	sst s8  }
0x11: {  	[smem:$0x3FAF] =	sst s9;
	s0 =	simm.s32 @!p0 $0x0  }
0x12: {  	s1 =	sld [smem:$0x3F95];
	s0 =	simm.s32 @p0 $0x1  }
0x13: {  	[smem:$0x3FB0] =	sst s0;
	s0 =	simm.s32 @!p1 $0x0  }
0x14: {  	s2 =	sld [smem:$0x3F94];
	s0 =	simm.s32 @p1 $0x1  }
0x15: {  	[smem:$0x3FB1] =	sst s0;
	s0 =	simm.s32 @!p2 $0x0  }
0x16: {  	s3 =	sld [smem:$0x3FDB];
	s0 =	simm.s32 @p2 $0x1  }
0x17: {  	s4 =	simm.s32 $0x1BF5;
	[smem:$0x3FB3] =	sst s0  }
0x18: {  	s0 =	sld [smem:$0x3F96];
	_ =	swait.ge [sflag:s4], $0x0  }
0x19: {  	s7 =	sld [smem:$0x3F97]  }
0x1a: {  	s8 =	sadd.s32 $0xFFFFE003, lr  }
0x1b: {  	s9 =	sadd.s32 $0xFFFFFEF7, lr;
	s5 =	simm.s32 $0xFFFFFFFF;
	p2 =	slt.u32 s8, $0xFFFFF086  }
0x1c: {  	p1 =	slt.u32 s9, $0xF7A;
	s5 =	simm.s32 @!p2 $0x0  }
0x1d: {  	s5 =	simm.s32 @p1 $0x1;
	p0 =	seq.s32 s7, s2  }
0x1e: {  	s7 =	smul.u32 @!p0 $0xF7A, s2;
	p2 =	seq.s32 @!p0 s5, $0x0  }
0x1f: {  	s9 =	smul.u32 $0xF7A, s1;
	s8 =	simm.s32 @!p0 $0x1BF5;
	p2 =	por !p2, p0  }
0x20: {  	[sflag:s8] =	ssyncset.s32 @!p0 $0xFFFFF086;
	s6 =	sadd.s32 @!p0 s3, s7;
	s7 =	simm.s32 @!p0 $0x108  }
0x21: {  	s3 =	sadd.s32 s3, s9;
	s6 =	sadd.s32 @!p0 $0x88, s6;
	s7 =	simm.s32 @p2 $0x1082  }
0x22: {  	[simem:s7], [sflag:s8] =	dma.local @!p0 [hbm:s6], $0xF7A  }
0x23: {  	s9 =	sor.u32 $0xD0000000, s2;
	s6 =	simm.s32 $0x108;
	_ =	swait.ge @!p0 [sflag:s8], $0x0  }
0x24: {  	s3 =	sadd.s32 $0x88, s3;
	s6 =	simm.s32 @!p1 $0x1082;
	[sflag:s4] =	ssyncset.s32 $0xFFFFF086  }
0x25: {  	[simem:s6], [sflag:s4] =	dma.local [hbm:s3], $0xF7A  }
0x26: {  	[smem:$0x3F97] =	sst s1;
	(tag) =	ssettag s2;
	_ =	strace s9  }
0x27: {  	s1 =	sld [smem:$0x3FA7]  }
0x28: {  	s2 =	sld [smem:$0x3FA8]  }
0x29: {  	s4 =	sld [smem:$0x3FAA]  }
0x2a: {  	p0 =	seq.s32 s5, $0x0;
	s5 =	sld [smem:$0x3FAB]  }
0x2b: {  	s6 =	sld [smem:$0x3FAC]  }
0x2c: {  	s7 =	sld [smem:$0x3FAD]  }
0x2d: {  	s3 =	simm.s32 $0x108;
	s8 =	sld [smem:$0x3FAE]  }
0x2e: {  	s3 =	simm.s32 @!p0 $0x1082;
	s9 =	sld [smem:$0x3FAF]  }
0x2f: {  	lr =	sadd.s32 s0, s3;
	s0 =	sld [smem:$0x3FA6]  }
0x30: {  	s3 =	sld [smem:$0x3FA9]  }
0x31: {  	[smem:$0x3FB2] =	sst s10  }
0x32: {  	s10 =	sld [smem:$0x3FB0];
	_ =	sdelay $0x3  }
0x33: {  	p0 =	seq.s32 s10, $0x1;
	s10 =	sld [smem:$0x3FB2];
	_ =	sdelay $0x3  }
0x34: {  	[smem:$0x3FB2] =	sst s10  }
0x35: {  	s10 =	sld [smem:$0x3FB1];
	_ =	sdelay $0x3  }
0x36: {  	p1 =	seq.s32 s10, $0x1;
	s10 =	sld [smem:$0x3FB2];
	_ =	sdelay $0x3  }
0x37: {  	[smem:$0x3FB2] =	sst s10  }
0x38: {  	s10 =	sld [smem:$0x3FB3]  }
0x39: {  	_ = 	snop;
	(pc) =	sbr.ind lr, $3  }
0x3a: {  	_ = 	snop  }
0x3b: {  	_ = 	snop  }
0x3c: {  	p2 =	seq.s32 s10, $0x1;
	s10 =	sld [smem:$0x3FB2]  }
0x3d: {  	_ =	shalt  }
0x3e: {  	_ =	shalt  }
0x3f: {  	_ =	shalt  }
0x40: {  	_ =	shalt  }
0x41: {  	_ =	shalt  }
0x42: {  	_ =	shalt  }
0x43: {  	_ =	shalt  }
0x44: {  	_ =	shalt  }
0x45: {  	_ =	shalt  }
0x46: {  	_ =	shalt  }
0x47: {  	_ =	shalt  }
0x48: {  	_ =	shalt  }
0x49: {  	_ =	shalt  }
0x4a: {  	_ =	shalt  }
0x4b: {  	_ =	shalt  }
0x4c: {  	_ =	shalt  }
0x4d: {  	_ =	shalt  }
0x4e: {  	_ =	shalt  }
0x4f: {  	_ =	shalt  }
0x50: {  	_ =	shalt  }
0x51: {  	_ =	shalt  }
0x52: {  	_ =	shalt  }
0x53: {  	_ =	shalt  }
0x54: {  	_ =	shalt  }
0x55: {  	_ =	shalt  }
0x56: {  	_ =	shalt  }
0x57: {  	_ =	shalt  }
0x58: {  	_ =	shalt  }
0x59: {  	_ =	shalt  }
0x5a: {  	_ =	shalt  }
0x5b: {  	_ =	shalt  }
0x5c: {  	_ =	shalt  }
0x5d: {  	_ =	shalt  }
0x5e: {  	_ =	shalt  }
0x5f: {  	_ =	shalt  }
0x60: {  	_ =	shalt  }
0x61: {  	_ =	shalt  }
0x62: {  	_ =	shalt  }
0x63: {  	_ =	shalt  }
0x64: {  	_ =	shalt  }
0x65: {  	_ =	shalt  }
0x66: {  	_ =	shalt  }
0x67: {  	_ =	shalt  }
0x68: {  	_ =	shalt  }
0x69: {  	_ =	shalt  }
0x6a: {  	_ =	shalt  }
0x6b: {  	_ =	shalt  }
0x6c: {  	_ =	shalt  }
0x6d: {  	_ =	shalt  }
0x6e: {  	_ =	shalt  }
0x6f: {  	_ =	shalt  }
0x70: {  	_ =	shalt  }
0x71: {  	_ =	shalt  }
0x72: {  	_ =	shalt  }
0x73: {  	_ =	shalt  }
0x74: {  	_ =	shalt  }
0x75: {  	_ =	shalt  }
0x76: {  	_ =	shalt  }
0x77: {  	_ =	shalt  }
0x78: {  	_ =	shalt  }
0x79: {  	_ =	shalt  }
0x7a: {  	_ =	shalt  }
0x7b: {  	_ =	shalt  }
0x7c: {  	_ =	shalt  }
0x7d: {  	_ =	shalt  }
0x7e: {  	_ =	shalt  }
0x7f: {  	_ =	shalt  }
0x80: {  	_ =	shalt  }
0x81: {  	_ =	shalt  }
0x82: {  	_ =	shalt  }
0x83: {  	_ =	shalt  }
0x84: {  	_ =	shalt  }
0x85: {  	_ =	shalt  }
0x86: {  	_ =	shalt  }
0x87: {  	_ =	shalt  }
.Lfunc_end0:
.L_simem_size_0:
called_computation.3_lowered:
.L_overlay_start_0:
0x88: {  	s2 =	sld [smem:$0x3FD9]  }
0x89: {  	s3 =	sld [smem:$0x3FFE];
	_ =	sdelay $0x1  }
0x8a: {  	s1 =	srdreg.scid  }
0x8b: {  	s0 =	sand.u32 $0x1, s1  }
0x8c: {  	s15 =	sshll.u32 s0, $0xA;
	s2 =	sadd.s32 s3, s2  }
0x8d: {  	s2 =	sadd.s32 s2, s15  }
0x8e: {  	[smem:$0x3FBE] =	sst s2  }
0x8f: {  	_ = 	snop  }
0x90: {  	s2 =	sld [smem:$0x3FD0];
	_ =	sdelay $0x2  }
0x91: {  	s16 =	simm.s32 $0xD;
	s4 =	simm.s32 $0x10  }
0x92: {  	[smem:s4], [sflag:s16] =	dma.local [hbm:s2], $0x1  }
0x93: {  	_ =	swait.eq [sflag:s16], $0x1  }
0x94: {  	[sflag:s16] =	ssyncset.done $0x0  }
0x95: {  	[sflag:s16] =	ssyncadd.s32 $0xFFFFFFFF  }
0x96: {  	s17 =	sld [smem:$0x11];
	(tm) =	ssettm $0x1  }
0x97: {  	s18 =	sld [smem:$0x3FFB];
	_ =	sdelay $0x3  }
0x98: {  	_ =	strace s18  }
0x99: {  	s2 =	sld [smem:$0x3FFC];
	_ =	sdelay $0x3  }
0x9a: {  	_ =	strace s2  }
0x9b: {  	s2 =	sld [smem:$0x3FFD];
	_ =	sdelay $0x3  }
0x9c: {  	_ =	strace s2  }
0x9d: {  	_ =	strace $0x8FFFFFFF  }
0x9e: {  	s19 =	sld [smem:$0x3FDB];
	_ =	sdelay $0x1  }
0x9f: {  	s20 =	simm.s32 $_scs_section_size  }
0xa0: {  	s5 =	simm.s32 $_size__tile_overlayer_lowered;
	s6 =	simm.s32 $_tile_overlayer_lowered  }
0xa1: {  	s7 =	simm.s32 $0x1BFF;
	s21 =	sshll.u32 s6, $0x1;
	s4 =	sadd.s32 s20, s19  }
0xa2: {  	s22 =	simm.s32 $0x0;
	s5 =	sshll.u32 s5, $0x1;
	s6 =	sadd.s32 s21, s4  }
0xa3: {  	[timem:s22], [sflag:s7] =	dma.local [hbm:s6], s5  }
0xa4: {  	_ =	swait.ge [sflag:s7], s5  }
0xa5: {  	s5 =	ssub.s32 $0x0, s5;
	[sflag:s7] =	ssyncset.done $0x0  }
0xa6: {  	[sflag:s7] =	ssyncadd.s32 s5;
	_ =	sdelay $0x1  }
0xa7: {  	s23 =	simm.s32 $0x1B8B  }
0xa8: {  	_ =	swait.ge [sflag:s23], $0x1  }
0xa9: {  	[sflag:s23] =	ssyncset.done $0x0  }
0xaa: {  	[sflag:s23] =	ssyncadd.s32 $0xFFFFFFFF  }
0xab: {  	s5 =	sld [smem:$0x0]  }
0xac: {  	s6 =	sand.u32 $0xFFFFFFFE, s1  }
0xad: {  	p0 =	sne.s32 s1, s6  }
0xae: {  	s6 =	sshll.u32 @p0 s6, $0xE  }
0xaf: {  	s6 =	sadd.s32 @p0 $0x11B8D, s6;
	s7 =	sshll.u32 @p0 s5, $0x11  }
0xb0: {  	s6 =	sor.u32 @p0 s7, s6  }
0xb1: {  	[sflag:s6] =	ssyncadd.remote.s32 @p0 $0x1;
	_ =	sdelay $0x1  }
0xb2: {  	s6 =	simm.s32 @p0 $0x1B8D  }
0xb3: {  	_ =	swait.eq @p0 [sflag:s6], $0x1  }
0xb4: {  	[sflag:s6] =	ssyncadd.s32 @p0 $0xFFFFFFFF  }
0xb5: {  	s7 =	sshll.u32 @!p0 s1, $0xE  }
0xb6: {  	s7 =	sor.u32 @!p0 $0x4000, s7;
	s6 =	simm.s32 @!p0 $0x1B8D  }
0xb7: {  	s5 =	sshll.u32 @!p0 s5, $0x11;
	s7 =	sadd.s32 @!p0 $0x11B8D, s7;
	_ =	swait.eq @!p0 [sflag:s6], $0x1  }
0xb8: {  	s5 =	sor.u32 @!p0 s5, s7;
	[sflag:s6] =	ssyncadd.s32 @!p0 $0xFFFFFFFF  }
0xb9: {  	s25 =	simm.s32 $0x1B8E;
	s24 =	sld [smem:$0x3FFE];
	[sflag:s5] =	ssyncadd.remote.s32 @!p0 $0x1  }
0xba: {  	s26 =	simm.s32 $execute0_lowered;
	[smem:$0x3FD2] =	sst s25  }
0xbb: {  	s6 =	sshll.u32 s26, $0x1;
	_ =	strace $0x8000004F;
	[dreg:$0x1] =	wrdreg $0xFFFFFFFF  }
0xbc: {  	s28 =	simm.s32 $_size_execute0_lowered;
	s4 =	sadd.s32 s4, s6;
	[dreg:$0x0] =	wrdreg $0x0  }
0xbd: {  	s6 =	sshll.u32 s28, $0x1;
	[dreg:$0x2] =	wrdreg s4  }
0xbe: {  	[dreg:$0x3] =	wrdreg s6  }
0xbf: {  	[dreg:$0x4] =	wrdreg $0xC0  }
0xc0: {  	_ =	task [dreg:s22], $0x5FFFF  }
0xc1: {  	[dreg:$0x1] =	wrdreg $0xFFFFFFFF  }
0xc2: {  	[dreg:$0x0] =	wrdreg $0x60  }
0xc3: {  	[dreg:$0x2] =	wrdreg s24  }
0xc4: {  	[dreg:$0x3] =	wrdreg s17  }
0xc5: {  	[dreg:$0x4] =	wrdreg $0xC  }
0xc6: {  	_ =	task.clear_ibuf [dreg:s22], $0x5FFFF;
	_ =	strace $0x9000004F  }
0xc7: {  	s29 =	simm.s32 $0xC;
	_ =	strace $0x80000051  }
0xc8: {  	_ =	swait.ge [sflag:s29], $0x1  }
0xc9: {  	[sflag:s29] =	ssyncadd.s32 $0xFFFFFFFF  }
0xca: {  	_ =	strace $0x90000051  }
0xcb: {  	_ =	sfence  }
0xcc: {  	s30 =	sld [smem:$0x0];
	_ =	sdelay $0x2  }
0xcd: {  	s31 =	sshll.u32 s1, $0xD;
	s1 =	sshrl.u32 s1, $0x2  }
0xce: {  	s4 =	sand.u32 $0x4000, s31;
	s1 =	sadd.s32 s1, s30  }
0xcf: {  	s0 =	sor.u32 s4, s0;
	s1 =	sshll.u32 s1, $0x11  }
0xd0: {  	s0 =	sor.u32 s1, s0  }
0xd1: {  	s0 =	sadd.s32 $0x8F2B, s0  }
0xd2: {  	[sflag:s0] =	ssyncadd.remote.s32 $0x1  }
0xd3: {  	_ =	sfence.sel $0xFFFF  }
0xd4: {  	[dreg:$0x0] =	wrdreg $0xFFFFFFFF;
	(pc) =	sbr.abs _section_cstart, $3  }
0xd5: {  	[dreg:$0x1] =	wrdreg $0xFFFFFFFF  }
0xd6: {  	_ =	task.clear_ibuf [dreg:s22], $0x2FFFF;
	_ =	strace $0x9FFFFFFF  }
0xd7: {  	(tm) =	ssettm $0x7FFFFFFF  }
tec
execute0_lowered:
.L_overlay_start_1:
0x0: {  	(tag) =	ssettag $0x1  }
0x1: {  	s7 =	rddreg [dreg:$0x0]  }
0x2: {  	s2 =	rddreg [dreg:$0x1]  }
0x3: {  	s0 =	rddreg [dreg:$0x2]  }
0x4: {  	s1 =	srdreg.scid;
	_ =	strace $0x80000050;
	s4 =	simm.s32 $0x1  }
0x5: {  	s9 =	simm.s32 $0x3;
	s11 =	simm.s32 $0x0;
	s5 =	sshll.u32 s1, $0x4  }
.Ltmp0:
0x6: {  	s1 =	stileid.u32;
	s5 =	sand.u32 $0x10, s5;
	(pc) =	sbr.rel .LBB2_1-.Ltmp0, $4  }
0x7: {  	p0 =	por $0x0, $0x0;
	s3 =	sadd.s32 $0x281000, s7;
	s6 =	sor.u32 s1, s5  }
0x8: {  	[sflag:s4] =	ssyncpa.u1 $0x0;
	s5 =	simm.s32 $0x2;
	s6 =	sshll.u32 s6, $0xA  }
0x9: {  	s7 =	sadd.s32 $0x401000, s7;
	[sflag:s5] =	ssyncpa.u1 $0x0;
	s8 =	sadd.s32 $0x400, s6  }
0xa: {  	vm0 =	vmmov $0xff;
	vm1 =	vcmask $0x3F20;
	[sflag:s9] =	ssyncpa.u1 $0x0;
	s10 =	smov.u32 s6;
	s9 =	simm.s32 $0x0  }
.LBB2_7:
0xb: {  	p1 =	slt.u32 s9, $0x2;
	s11 =	sadd.s32 $0x100, s10  }
0xc: {  	s13 =	smov.u32 s6;
	s9 =	sadd.s32 $0x1, s9;
	p2 =	slt.s32 s11, s8  }
0xd: {  	s13 =	smov.u32 @p2 s11;
	p2 =	sne.s32 s9, $0x6  }
.Ltmp1:
0xe: {  	_ = 	snop;
	(pc) =	sbr.rel @!p2 .LBB2_8-.Ltmp1, $4  }
0xf: {  	s12 =	simm.s32 @!p1 $0x3  }
0x10: {  	_ =	swait.ge @!p1 [sflag:s12], $0x8000  }
0x11: {  	p0 =	por !p0, !p0;
	[sflag:s12] =	ssyncset.done @!p1 $0x0  }
0x12: {  	s11 =	smov.u32 s10;
	s10 =	smov.u32 s13;
	[sflag:s12] =	ssyncadd.s32 @!p1 $0xFFFF8000  }
.LBB2_1:
0x13: {  	p1 =	sgt.u32 s9, $0x3  }
0x14: {  	s12 =	sxor.u32 @!p1 $0xFFFFFFFF, s9  }
0x15: {  	s13 =	sshrl.u32 @!p1 s10, $0x3;
	s12 =	sshll.u32 @!p1 s12, $0x8  }
0x16: {  	s14 =	sand.u32 @!p1 $0x7, s10;
	s13 =	sadd.s32 @!p1 s2, s13;
	s12 =	sand.u32 @!p1 $0x100, s12  }
0x17: {  	[tilespmem:s12], [sflag:$0x2] =	stream.linear.gather @!p1 [hbm4b:s13+s14], $0x100, $0x38;
	[tilespmem:$0x10200] =	vst v63  }
0x18: {  	p1 =	seq.s32 s9, $0x0  }
0x19: {  	p2 =	seq.s32 @!p1 s9, $0x5  }
0x1a: {  	p1 =	por p1, p2  }
.Ltmp2:
0x1b: {  	_ = 	snop;
	(pc) =	sbr.rel @p1 .LBB2_7-.Ltmp2, $1  }
0x1c: {  	_ =	sdelay $0x3  }
0x1d: {  	s12 =	simm.s32 $0x1  }
0x1e: {  	_ =	swait.ge [sflag:s5], $0x100;
	s12 =	simm.s32 @!p0 $0x0  }
0x1f: {  	[sflag:s5] =	ssyncset.done $0x0;
	s14 =	sshll.u32 s12, $0x8  }
0x20: {  	[sflag:s5] =	ssyncadd.s32 $0xFFFFFF00;
	s13 =	sadd.s32 $0x0, s14  }
0x21: {  	v0 =	vld.msk [tilespmem:s13+$0x0 ss:$0x1], $0xffff;
	_ =	sdelay $0x4  }
0x22: {  	v1 =	vshll.u32 v0, $0x5  }
0x23: {  	vm2 =	veq.s32 v0, $0x80000000;
	v0 =	vshll.u32 v0, $0x14;
	v1 =	vand.u32 $0xFFF80, v1  }
0x24: {  	v0 =	vand.u32 $0x300000, v0;
	v1 =	vsel vm2, $0xFFFFFF80, v1  }
0x25: {  	v0 =	vsel vm2, $0xFFF00000, v0;
	v2 =	vand.u32 $0xFFFFFC00, v1  }
0x26: {  	v1 =	vand.u32 $0x380, v1;
	v0 =	vadd.s32 v0, v2  }
0x27: {  	v0 =	vor.u32 v1, v0  }
0x28: {  	v0 =	vshrl.u32 v0, $0x3;
	_ =	sdelay $0x2  }
0x29: {  	s12 =	sshll.u32 s12, $0xF  }
0x2a: {  	s12 =	sor.u32 $0x200, s12  }
0x2b: {  	[tilespmem:s12], [sflag:$0x1] =	stream.indirect_vreg.gather [hbm:s3], $0x80, v0, vm0, $0x38;
	[tilespmem:$0x10200] =	vst v63  }
0x2c: {  	s15 =	sadd.s32 $0x10, s14;
	s13 =	sadd.s32 $0x400, s12  }
0x2d: {  	[tilespmem:s13], [sflag:$0x1] =	stream.indirect_vreg.gather [hbm:s3], $0x80, v0, vm1, $0x38;
	[tilespmem:$0x10200] =	vst v63  }
0x2e: {  	s16 =	simm.s32 $0x80;
	v0 =	vld.msk [tilespmem:s15+$0x0 ss:$0x1], $0xffff;
	s15 =	smov.u32 s12  }
.LBB2_3:
0x2f: {  	p1 =	sne.s32 s16, $0x3C0;
	_ =	sdelay $0x4  }
0x30: {  	v1 =	vshll.u32 v0, $0x5  }
0x31: {  	vm2 =	veq.s32 v0, $0x80000000;
	v0 =	vshll.u32 v0, $0x14;
	v1 =	vand.u32 $0xFFF80, v1  }
0x32: {  	v0 =	vand.u32 $0x300000, v0;
	v1 =	vsel vm2, $0xFFFFFF80, v1  }
0x33: {  	v0 =	vsel vm2, $0xFFF00000, v0;
	v2 =	vand.u32 $0xFFFFFC00, v1  }
0x34: {  	v1 =	vand.u32 $0x380, v1;
	v0 =	vadd.s32 v0, v2  }
0x35: {  	v0 =	vor.u32 v1, v0  }
0x36: {  	v0 =	vshrl.u32 v0, $0x3;
	_ =	sdelay $0x3  }
.Ltmp3:
0x37: {  	s17 =	sshra.s32 s16, $0x2;
	s15 =	sadd.s32 $0x800, s15;
	(pc) =	sbr.rel @p1 .LBB2_3-.Ltmp3, $4  }
0x38: {  	[tilespmem:s15], [sflag:$0x1] =	stream.indirect_vreg.gather [hbm:s3], $0x80, v0, vm0, $0x38;
	[tilespmem:$0x10200] =	vst v63  }
0x39: {  	s17 =	sadd.s32 s17, s14;
	s18 =	sadd.s32 $0x400, s15  }
0x3a: {  	[tilespmem:s18], [sflag:$0x1] =	stream.indirect_vreg.gather [hbm:s3], $0x80, v0, vm1, $0x38;
	[tilespmem:$0x10200] =	vst v63  }
0x3b: {  	s16 =	sadd.s32 $0x40, s16;
	v0 =	vld.msk [tilespmem:s17+$0x0 ss:$0x1], $0xffff  }
0x3c: {  	_ =	sdelay $0x3  }
0x3d: {  	v1 =	vshll.u32 v0, $0x5  }
0x3e: {  	vm2 =	veq.s32 v0, $0x80000000;
	v63 =	vshll.u32 v0, $0x14;
	v1 =	vand.u32 $0xFFF80, v1  }
0x3f: {  	v0 =	vand.u32 $0x300000, v63;
	v1 =	vsel vm2, $0xFFFFFF80, v1  }
0x40: {  	v0 =	vsel vm2, $0xFFF00000, v0;
	v2 =	vand.u32 $0xFFFFFC00, v1  }
0x41: {  	v1 =	vand.u32 $0x380, v1;
	v0 =	vadd.s32 v0, v2  }
0x42: {  	v0 =	vor.u32 v1, v0  }
0x43: {  	v0 =	vshrl.u32 v0, $0x3;
	_ =	sdelay $0x3  }
0x44: {  	s14 =	sadd.s32 $0x800, s15  }
0x45: {  	[tilespmem:s14], [sflag:$0x1] =	stream.indirect_vreg.gather [hbm:s3], $0x80, v0, vm0, $0x38;
	[tilespmem:$0x10200] =	vst v63  }
0x46: {  	s14 =	sadd.s32 $0x400, s14  }
0x47: {  	[tilespmem:s14], [sflag:$0x1] =	stream.indirect_vreg.gather [hbm:s3], $0x80, v0, vm1, $0x38;
	[tilespmem:$0x10200] =	vst v63  }
0x48: {  	s11 =	sshll.u32 s11, $0x4;
	_ =	swait.ge [sflag:s4], $0x8000  }
0x49: {  	s11 =	sadd.s32 s11, s7;
	[sflag:s4] =	ssyncset.done $0x0  }
0x4a: {  	s15 =	sadd.s32 $0x0, s11;
	s14 =	simm.s32 $0x80;
	[sflag:s4] =	ssyncadd.s32 $0xFFFF8000  }
.LBB2_5:
0x4b: {  	[hbm:s15] =	stream.linear.scatter [tilespmem:s12], [sflag:$0x3], $0x400, $0x38;
	[tilespmem:$0x10200] =	vst v63  }
0x4c: {  	s15 =	smov.u32 s14;
	s12 =	smov.u32 s13;
	p1 =	sne.s32 s14, $0xF80  }
.Ltmp4:
0x4d: {  	s14 =	sadd.s32 $0x80, s14;
	(pc) =	sbr.rel @p1 .LBB2_5-.Ltmp4, $2  }
0x4e: {  	_ =	sdelay $0x2  }
0x4f: {  	s13 =	sadd.s32 $0x400, s13;
	s15 =	sadd.s32 s15, s11  }
.Ltmp5:
0x50: {  	(pc) =	sbr.rel .LBB2_7-.Ltmp5, $2  }
0x51: {  	_ =	sdelay $0x2  }
0x52: {  	[hbm:s15] =	stream.linear.scatter [tilespmem:s12], [sflag:$0x3], $0x400, $0x38;
	[tilespmem:$0x10200] =	vst v63  }
.LBB2_8:
0x53: {  	_ =	sfence.sel $0x180000  }
0x54: {  	s2 =	simm.s32 $0x2;
	[bflag:$0x0] =	sbarrier.arrive $0xFFFF  }
0x55: {  	s30 =	simm.s32 $0x3;
	[sflag:s2] =	ssyncpa.u1 $0x1  }
0x56: {  	s31 =	simm.s32 $0x1;
	[sflag:s30] =	ssyncpa.u1 $0x1  }
0x57: {  	[sflag:s31] =	ssyncpa.u1 $0x1  }
0x58: {  	p0 =	sne.s32 s1, $0x0;
	_ =	strace $0x90000050  }
0x59: {  	s0 =	sadd.s32 @!p0 $0x100000, s0;
	[bflag:$0x2] =	sbarrier.arrive $0xFFFF  }
0x5a: {  	[sflag:s0] =	ssyncadd.tile.s32 @!p0 $0x1;
	_ =	shalt  }
.Lfunc_end2:
_tile_overlayer_lowered:
.L_overlay_start_2:
0x5b: {  	(tag) =	ssettag $0x2  }
0x5c: {  	s0 =	rddreg [dreg:$0x0];
	s2 =	stileid.u32  }
0x5d: {  	s1 =	rddreg [dreg:$0x1];
	p0 =	sne.s32 s2, $0x0  }
0x5e: {  	s3 =	rddreg [dreg:$0x2];
	[bflag:$0x3] =	sbarrier.arrive $0xFFFF;
	s2 =	simm.s32 @!p0 $0x1C01  }
0x5f: {  	[timem:s3], [sflag:s2] =	dma.local @!p0 [hbm:s0], s1  }
0x60: {  	s0 =	simm.s32 @!p0 $0x1  }
0x61: {  	_ =	swait.ge @!p0 [sflag:s0], s1  }
0x62: {  	s1 =	ssub.s32 @!p0 $0x0, s1;
	[sflag:s0] =	ssyncset.done @!p0 $0x0  }
0x63: {  	[sflag:s0] =	ssyncadd.s32 @!p0 s1  }
0x64: {  	[bflag:$0x3] =	sbarrier.arrive $0xFFFF  }
0x65: {  	_ =	shalt  }

// kernel: gather_offload_async_start.3
scs
__scs_entry_jumppad:
0x0: {  	(pc) =	sbr.rel $0x88, $3  }
0x1: {  	(tag) =	ssettag $0x0;
	lr =	simm.s32 $0x1  }
0x2: {  	[smem:$0x3F97] =	sst lr;
	_ =	strace $0xD0000000  }
0x3: {  	_ = 	snop  }
0x4: {  	_ = 	snop  }
0x5: {  	_ = 	snop  }
0x6: {  	_ = 	snop  }
0x7: {  	_ = 	snop  }
__scs_overlays_trampoline_lowered:
0x8: {  	[smem:$0x3FA6] =	sst s0  }
0x9: {  	[smem:$0x3FA7] =	sst s1  }
0xa: {  	[smem:$0x3FA8] =	sst s2  }
0xb: {  	[smem:$0x3FA9] =	sst s3  }
0xc: {  	[smem:$0x3FAA] =	sst s4  }
0xd: {  	[smem:$0x3FAB] =	sst s5  }
0xe: {  	[smem:$0x3FAC] =	sst s6  }
0xf: {  	[smem:$0x3FAD] =	sst s7  }
0x10: {  	[smem:$0x3FAE] =	sst s8  }
0x11: {  	[smem:$0x3FAF] =	sst s9;
	s0 =	simm.s32 @!p0 $0x0  }
0x12: {  	s1 =	sld [smem:$0x3F95];
	s0 =	simm.s32 @p0 $0x1  }
0x13: {  	[smem:$0x3FB0] =	sst s0;
	s0 =	simm.s32 @!p1 $0x0  }
0x14: {  	s2 =	sld [smem:$0x3F94];
	s0 =	simm.s32 @p1 $0x1  }
0x15: {  	[smem:$0x3FB1] =	sst s0;
	s0 =	simm.s32 @!p2 $0x0  }
0x16: {  	s3 =	sld [smem:$0x3FDB];
	s0 =	simm.s32 @p2 $0x1  }
0x17: {  	s4 =	simm.s32 $0x1BF5;
	[smem:$0x3FB3] =	sst s0  }
0x18: {  	s0 =	sld [smem:$0x3F96];
	_ =	swait.ge [sflag:s4], $0x0  }
0x19: {  	s7 =	sld [smem:$0x3F97]  }
0x1a: {  	s8 =	sadd.s32 $0xFFFFE003, lr  }
0x1b: {  	s9 =	sadd.s32 $0xFFFFFEF7, lr;
	s5 =	simm.s32 $0xFFFFFFFF;
	p2 =	slt.u32 s8, $0xFFFFF086  }
0x1c: {  	p1 =	slt.u32 s9, $0xF7A;
	s5 =	simm.s32 @!p2 $0x0  }
0x1d: {  	s5 =	simm.s32 @p1 $0x1;
	p0 =	seq.s32 s7, s2  }
0x1e: {  	s7 =	smul.u32 @!p0 $0xF7A, s2;
	p2 =	seq.s32 @!p0 s5, $0x0  }
0x1f: {  	s9 =	smul.u32 $0xF7A, s1;
	s8 =	simm.s32 @!p0 $0x1BF5;
	p2 =	por !p2, p0  }
0x20: {  	[sflag:s8] =	ssyncset.s32 @!p0 $0xFFFFF086;
	s6 =	sadd.s32 @!p0 s3, s7;
	s7 =	simm.s32 @!p0 $0x108  }
0x21: {  	s3 =	sadd.s32 s3, s9;
	s6 =	sadd.s32 @!p0 $0x88, s6;
	s7 =	simm.s32 @p2 $0x1082  }
0x22: {  	[simem:s7], [sflag:s8] =	dma.local @!p0 [hbm:s6], $0xF7A  }
0x23: {  	s9 =	sor.u32 $0xD0000000, s2;
	s6 =	simm.s32 $0x108;
	_ =	swait.ge @!p0 [sflag:s8], $0x0  }
0x24: {  	s3 =	sadd.s32 $0x88, s3;
	s6 =	simm.s32 @!p1 $0x1082;
	[sflag:s4] =	ssyncset.s32 $0xFFFFF086  }
0x25: {  	[simem:s6], [sflag:s4] =	dma.local [hbm:s3], $0xF7A  }
0x26: {  	[smem:$0x3F97] =	sst s1;
	(tag) =	ssettag s2;
	_ =	strace s9  }
0x27: {  	s1 =	sld [smem:$0x3FA7]  }
0x28: {  	s2 =	sld [smem:$0x3FA8]  }
0x29: {  	s4 =	sld [smem:$0x3FAA]  }
0x2a: {  	p0 =	seq.s32 s5, $0x0;
	s5 =	sld [smem:$0x3FAB]  }
0x2b: {  	s6 =	sld [smem:$0x3FAC]  }
0x2c: {  	s7 =	sld [smem:$0x3FAD]  }
0x2d: {  	s3 =	simm.s32 $0x108;
	s8 =	sld [smem:$0x3FAE]  }
0x2e: {  	s3 =	simm.s32 @!p0 $0x1082;
	s9 =	sld [smem:$0x3FAF]  }
0x2f: {  	lr =	sadd.s32 s0, s3;
	s0 =	sld [smem:$0x3FA6]  }
0x30: {  	s3 =	sld [smem:$0x3FA9]  }
0x31: {  	[smem:$0x3FB2] =	sst s10  }
0x32: {  	s10 =	sld [smem:$0x3FB0];
	_ =	sdelay $0x3  }
0x33: {  	p0 =	seq.s32 s10, $0x1;
	s10 =	sld [smem:$0x3FB2];
	_ =	sdelay $0x3  }
0x34: {  	[smem:$0x3FB2] =	sst s10  }
0x35: {  	s10 =	sld [smem:$0x3FB1];
	_ =	sdelay $0x3  }
0x36: {  	p1 =	seq.s32 s10, $0x1;
	s10 =	sld [smem:$0x3FB2];
	_ =	sdelay $0x3  }
0x37: {  	[smem:$0x3FB2] =	sst s10  }
0x38: {  	s10 =	sld [smem:$0x3FB3]  }
0x39: {  	_ = 	snop;
	(pc) =	sbr.ind lr, $3  }
0x3a: {  	_ = 	snop  }
0x3b: {  	_ = 	snop  }
0x3c: {  	p2 =	seq.s32 s10, $0x1;
	s10 =	sld [smem:$0x3FB2]  }
0x3d: {  	_ =	shalt  }
0x3e: {  	_ =	shalt  }
0x3f: {  	_ =	shalt  }
0x40: {  	_ =	shalt  }
0x41: {  	_ =	shalt  }
0x42: {  	_ =	shalt  }
0x43: {  	_ =	shalt  }
0x44: {  	_ =	shalt  }
0x45: {  	_ =	shalt  }
0x46: {  	_ =	shalt  }
0x47: {  	_ =	shalt  }
0x48: {  	_ =	shalt  }
0x49: {  	_ =	shalt  }
0x4a: {  	_ =	shalt  }
0x4b: {  	_ =	shalt  }
0x4c: {  	_ =	shalt  }
0x4d: {  	_ =	shalt  }
0x4e: {  	_ =	shalt  }
0x4f: {  	_ =	shalt  }
0x50: {  	_ =	shalt  }
0x51: {  	_ =	shalt  }
0x52: {  	_ =	shalt  }
0x53: {  	_ =	shalt  }
0x54: {  	_ =	shalt  }
0x55: {  	_ =	shalt  }
0x56: {  	_ =	shalt  }
0x57: {  	_ =	shalt  }
0x58: {  	_ =	shalt  }
0x59: {  	_ =	shalt  }
0x5a: {  	_ =	shalt  }
0x5b: {  	_ =	shalt  }
0x5c: {  	_ =	shalt  }
0x5d: {  	_ =	shalt  }
0x5e: {  	_ =	shalt  }
0x5f: {  	_ =	shalt  }
0x60: {  	_ =	shalt  }
0x61: {  	_ =	shalt  }
0x62: {  	_ =	shalt  }
0x63: {  	_ =	shalt  }
0x64: {  	_ =	shalt  }
0x65: {  	_ =	shalt  }
0x66: {  	_ =	shalt  }
0x67: {  	_ =	shalt  }
0x68: {  	_ =	shalt  }
0x69: {  	_ =	shalt  }
0x6a: {  	_ =	shalt  }
0x6b: {  	_ =	shalt  }
0x6c: {  	_ =	shalt  }
0x6d: {  	_ =	shalt  }
0x6e: {  	_ =	shalt  }
0x6f: {  	_ =	shalt  }
0x70: {  	_ =	shalt  }
0x71: {  	_ =	shalt  }
0x72: {  	_ =	shalt  }
0x73: {  	_ =	shalt  }
0x74: {  	_ =	shalt  }
0x75: {  	_ =	shalt  }
0x76: {  	_ =	shalt  }
0x77: {  	_ =	shalt  }
0x78: {  	_ =	shalt  }
0x79: {  	_ =	shalt  }
0x7a: {  	_ =	shalt  }
0x7b: {  	_ =	shalt  }
0x7c: {  	_ =	shalt  }
0x7d: {  	_ =	shalt  }
0x7e: {  	_ =	shalt  }
0x7f: {  	_ =	shalt  }
0x80: {  	_ =	shalt  }
0x81: {  	_ =	shalt  }
0x82: {  	_ =	shalt  }
0x83: {  	_ =	shalt  }
0x84: {  	_ =	shalt  }
0x85: {  	_ =	shalt  }
0x86: {  	_ =	shalt  }
0x87: {  	_ =	shalt  }
.Lfunc_end0:
.L_simem_size_0:
called_computation.4_lowered:
.L_overlay_start_0:
0x88: {  	s2 =	sld [smem:$0x3FD9]  }
0x89: {  	s3 =	sld [smem:$0x3FFE];
	_ =	sdelay $0x1  }
0x8a: {  	s1 =	srdreg.scid  }
0x8b: {  	s0 =	sand.u32 $0x1, s1  }
0x8c: {  	s14 =	sshll.u32 s0, $0xA;
	s2 =	sadd.s32 s3, s2  }
0x8d: {  	s2 =	sadd.s32 s2, s14  }
0x8e: {  	[smem:$0x3FBE] =	sst s2  }
0x8f: {  	_ = 	snop  }
0x90: {  	s2 =	sld [smem:$0x3FD0];
	_ =	sdelay $0x2  }
0x91: {  	s15 =	simm.s32 $0xD;
	s4 =	simm.s32 $0x10  }
0x92: {  	[smem:s4], [sflag:s15] =	dma.local [hbm:s2], $0x1  }
0x93: {  	_ =	swait.eq [sflag:s15], $0x1  }
0x94: {  	[sflag:s15] =	ssyncset.done $0x0  }
0x95: {  	[sflag:s15] =	ssyncadd.s32 $0xFFFFFFFF  }
0x96: {  	s16 =	sld [smem:$0x11];
	(tm) =	ssettm $0x1  }
0x97: {  	s17 =	sld [smem:$0x3FFB];
	_ =	sdelay $0x3  }
0x98: {  	_ =	strace s17  }
0x99: {  	s3 =	sld [smem:$0x3FFC];
	_ =	sdelay $0x3  }
0x9a: {  	_ =	strace s3  }
0x9b: {  	s3 =	sld [smem:$0x3FFD];
	_ =	sdelay $0x3  }
0x9c: {  	_ =	strace s3  }
0x9d: {  	_ =	strace $0x8FFFFFFF  }
0x9e: {  	s18 =	sld [smem:$0x3FDB];
	_ =	sdelay $0x1  }
0x9f: {  	s19 =	simm.s32 $_scs_section_size  }
0xa0: {  	s5 =	simm.s32 $_size__tile_overlayer_lowered;
	s6 =	simm.s32 $_tile_overlayer_lowered  }
0xa1: {  	s22 =	simm.s32 $0x1BFF;
	s21 =	sshll.u32 s6, $0x1;
	s3 =	sadd.s32 s19, s18  }
0xa2: {  	s7 =	simm.s32 $0x0;
	s20 =	sshll.u32 s5, $0x1;
	s5 =	sadd.s32 s21, s3  }
0xa3: {  	[timem:s7], [sflag:s22] =	dma.local [hbm:s5], s20  }
0xa4: {  	_ =	swait.ge [sflag:s22], s20  }
0xa5: {  	s4 =	ssub.s32 $0x0, s20;
	[sflag:s22] =	ssyncset.done $0x0  }
0xa6: {  	[sflag:s22] =	ssyncadd.s32 s4;
	_ =	sdelay $0x1  }
0xa7: {  	s23 =	simm.s32 $0x1B8B  }
0xa8: {  	_ =	swait.ge [sflag:s23], $0x1  }
0xa9: {  	[sflag:s23] =	ssyncset.done $0x0  }
0xaa: {  	s25 =	simm.s32 $0x1B8E;
	s24 =	sld [smem:$0x3FFE];
	[sflag:s23] =	ssyncadd.s32 $0xFFFFFFFF  }
0xab: {  	s26 =	simm.s32 $execute0_lowered;
	[smem:$0x3FD2] =	sst s25  }
0xac: {  	s5 =	sshll.u32 s26, $0x1;
	_ =	strace $0x80000046;
	[dreg:$0x1] =	wrdreg $0xFFFFFFFF  }
0xad: {  	s28 =	simm.s32 $_size_execute0_lowered;
	s3 =	sadd.s32 s3, s5;
	[dreg:$0x0] =	wrdreg $0x0  }
0xae: {  	s5 =	sshll.u32 s28, $0x1;
	[dreg:$0x2] =	wrdreg s3  }
0xaf: {  	[dreg:$0x3] =	wrdreg s5  }
0xb0: {  	[dreg:$0x4] =	wrdreg $0xC0  }
0xb1: {  	_ =	task [dreg:s7], $0x5FFFF  }
0xb2: {  	[dreg:$0x1] =	wrdreg $0xFFFFFFFF  }
0xb3: {  	[dreg:$0x0] =	wrdreg $0x60  }
0xb4: {  	[dreg:$0x2] =	wrdreg s24  }
0xb5: {  	[dreg:$0x3] =	wrdreg s16  }
0xb6: {  	[dreg:$0x4] =	wrdreg $0x9  }
0xb7: {  	_ =	task.clear_ibuf [dreg:s7], $0x5FFFF;
	_ =	strace $0x90000046  }
0xb8: {  	s29 =	simm.s32 $0x9;
	_ =	strace $0x80000048  }
0xb9: {  	_ =	swait.ge [sflag:s29], $0x1  }
0xba: {  	[sflag:s29] =	ssyncadd.s32 $0xFFFFFFFF  }
0xbb: {  	_ =	strace $0x90000048  }
0xbc: {  	_ =	sfence  }
0xbd: {  	s30 =	sld [smem:$0x0];
	_ =	sdelay $0x2  }
0xbe: {  	s31 =	sshll.u32 s1, $0xD;
	s1 =	sshrl.u32 s1, $0x2  }
0xbf: {  	s3 =	sand.u32 $0x4000, s31;
	s1 =	sadd.s32 s1, s30  }
0xc0: {  	s0 =	sor.u32 s3, s0;
	s1 =	sshll.u32 s1, $0x11  }
0xc1: {  	s0 =	sor.u32 s1, s0  }
0xc2: {  	s0 =	sadd.s32 $0x8F2B, s0  }
0xc3: {  	[sflag:s0] =	ssyncadd.remote.s32 $0x1  }
0xc4: {  	_ =	sfence.sel $0xFFFF  }
0xc5: {  	[dreg:$0x0] =	wrdreg $0xFFFFFFFF;
	(pc) =	sbr.abs _section_cstart, $3  }
0xc6: {  	[dreg:$0x1] =	wrdreg $0xFFFFFFFF  }
0xc7: {  	_ =	task.clear_ibuf [dreg:s7], $0x2FFFF;
	_ =	strace $0x9FFFFFFF  }
0xc8: {  	(tm) =	ssettm $0x7FFFFFFF  }
0xc9: {  	_ =	shalt  }
tec
execute0_lowered:
.L_overlay_start_1:
0x0: {  	(tag) =	ssettag $0x1  }
0x1: {  	s2 =	rddreg [dreg:$0x0]  }
0x2: {  	s3 =	rddreg [dreg:$0x1]  }
0x3: {  	s0 =	rddreg [dreg:$0x2];
	s1 =	srdreg.scid;
	_ =	strace $0x80000047  }
0x4: {  	s4 =	simm.s32 $0x1;
	s9 =	simm.s32 $0x3;
	s5 =	sshll.u32 s1, $0x4  }
.Ltmp0:
0x5: {  	s1 =	stileid.u32;
	s5 =	sand.u32 $0x10, s5;
	(pc) =	sbr.rel .LBB2_1-.Ltmp0, $4  }
0x6: {  	s11 =	simm.s32 $0x0;
	p0 =	por $0x0, $0x0;
	s6 =	sor.u32 s1, s5  }
0x7: {  	[sflag:s4] =	ssyncpa.u1 $0x0;
	s5 =	simm.s32 $0x2;
	s6 =	sshll.u32 s6, $0xA  }
0x8: {  	s7 =	sadd.s32 $0x81000, s2;
	[sflag:s5] =	ssyncpa.u1 $0x0;
	s8 =	sadd.s32 $0x400, s6  }
0x9: {  	vm0 =	vmmov $0xff;
	vm1 =	vcmask $0x3F20;
	[sflag:s9] =	ssyncpa.u1 $0x0;
	s10 =	smov.u32 s6;
	s9 =	simm.s32 $0x0  }
.LBB2_7:
0xa: {  	p1 =	slt.u32 s9, $0x2;
	s11 =	sadd.s32 $0x100, s10  }
0xb: {  	s13 =	smov.u32 s6;
	s9 =	sadd.s32 $0x1, s9;
	p2 =	slt.s32 s11, s8  }
0xc: {  	s13 =	smov.u32 @p2 s11;
	p2 =	sne.s32 s9, $0x6  }
.Ltmp1:
0xd: {  	_ = 	snop;
	(pc) =	sbr.rel @!p2 .LBB2_8-.Ltmp1, $4  }
0xe: {  	s12 =	simm.s32 @!p1 $0x3  }
0xf: {  	_ =	swait.ge @!p1 [sflag:s12], $0x8000  }
0x10: {  	p0 =	por !p0, !p0;
	[sflag:s12] =	ssyncset.done @!p1 $0x0  }
0x11: {  	s11 =	smov.u32 s10;
	s10 =	smov.u32 s13;
	[sflag:s12] =	ssyncadd.s32 @!p1 $0xFFFF8000  }
.LBB2_1:
0x12: {  	p1 =	sgt.u32 s9, $0x3  }
0x13: {  	s12 =	sxor.u32 @!p1 $0xFFFFFFFF, s9  }
0x14: {  	s13 =	sshrl.u32 @!p1 s10, $0x3;
	s12 =	sshll.u32 @!p1 s12, $0x8  }
0x15: {  	s14 =	sand.u32 @!p1 $0x7, s10;
	s13 =	sadd.s32 @!p1 s3, s13;
	s12 =	sand.u32 @!p1 $0x100, s12  }
0x16: {  	[tilespmem:s12], [sflag:$0x2] =	stream.linear.gather @!p1 [hbm4b:s13+s14], $0x100, $0x38;
	[tilespmem:$0x10200] =	vst v63  }
0x17: {  	p1 =	seq.s32 s9, $0x0  }
0x18: {  	p2 =	seq.s32 @!p1 s9, $0x5  }
0x19: {  	p1 =	por p1, p2  }
.Ltmp2:
0x1a: {  	_ = 	snop;
	(pc) =	sbr.rel @p1 .LBB2_7-.Ltmp2, $1  }
0x1b: {  	_ =	sdelay $0x3  }
0x1c: {  	s12 =	simm.s32 $0x1  }
0x1d: {  	_ =	swait.ge [sflag:s5], $0x100;
	s12 =	simm.s32 @!p0 $0x0  }
0x1e: {  	[sflag:s5] =	ssyncset.done $0x0;
	s14 =	sshll.u32 s12, $0x8  }
0x1f: {  	[sflag:s5] =	ssyncadd.s32 $0xFFFFFF00;
	s13 =	sadd.s32 $0x0, s14  }
0x20: {  	v0 =	vld.msk [tilespmem:s13+$0x0 ss:$0x1], $0xffff;
	_ =	sdelay $0x4  }
0x21: {  	v1 =	vshll.u32 v0, $0x5  }
0x22: {  	vm2 =	veq.s32 v0, $0x80000000;
	v0 =	vshll.u32 v0, $0x14;
	v1 =	vand.u32 $0xFFF80, v1  }
0x23: {  	v0 =	vand.u32 $0x300000, v0;
	v1 =	vsel vm2, $0xFFFFFF80, v1  }
0x24: {  	v0 =	vsel vm2, $0xFFF00000, v0;
	v2 =	vand.u32 $0xFFFFFC00, v1  }
0x25: {  	v1 =	vand.u32 $0x380, v1;
	v0 =	vadd.s32 v0, v2  }
0x26: {  	v0 =	vor.u32 v1, v0  }
0x27: {  	v0 =	vshrl.u32 v0, $0x3;
	_ =	sdelay $0x2  }
0x28: {  	s12 =	sshll.u32 s12, $0xF  }
0x29: {  	s12 =	sor.u32 $0x200, s12  }
0x2a: {  	[tilespmem:s12], [sflag:$0x1] =	stream.indirect_vreg.gather [hbm:s2], $0x80, v0, vm0, $0x38;
	[tilespmem:$0x10200] =	vst v63  }
0x2b: {  	s15 =	sadd.s32 $0x10, s14;
	s13 =	sadd.s32 $0x400, s12  }
0x2c: {  	[tilespmem:s13], [sflag:$0x1] =	stream.indirect_vreg.gather [hbm:s2], $0x80, v0, vm1, $0x38;
	[tilespmem:$0x10200] =	vst v63  }
0x2d: {  	s16 =	simm.s32 $0x80;
	v0 =	vld.msk [tilespmem:s15+$0x0 ss:$0x1], $0xffff;
	s15 =	smov.u32 s12  }
.LBB2_3:
0x2e: {  	p1 =	sne.s32 s16, $0x3C0;
	_ =	sdelay $0x4  }
0x2f: {  	v1 =	vshll.u32 v0, $0x5  }
0x30: {  	vm2 =	veq.s32 v0, $0x80000000;
	v0 =	vshll.u32 v0, $0x14;
	v1 =	vand.u32 $0xFFF80, v1  }
0x31: {  	v0 =	vand.u32 $0x300000, v0;
	v1 =	vsel vm2, $0xFFFFFF80, v1  }
0x32: {  	v0 =	vsel vm2, $0xFFF00000, v0;
	v2 =	vand.u32 $0xFFFFFC00, v1  }
0x33: {  	v1 =	vand.u32 $0x380, v1;
	v0 =	vadd.s32 v0, v2  }
0x34: {  	v0 =	vor.u32 v1, v0  }
0x35: {  	v0 =	vshrl.u32 v0, $0x3;
	_ =	sdelay $0x3  }
.Ltmp3:
0x36: {  	s17 =	sshra.s32 s16, $0x2;
	s15 =	sadd.s32 $0x800, s15;
	(pc) =	sbr.rel @p1 .LBB2_3-.Ltmp3, $4  }
0x37: {  	[tilespmem:s15], [sflag:$0x1] =	stream.indirect_vreg.gather [hbm:s2], $0x80, v0, vm0, $0x38;
	[tilespmem:$0x10200] =	vst v63  }
0x38: {  	s17 =	sadd.s32 s17, s14;
	s18 =	sadd.s32 $0x400, s15  }
0x39: {  	[tilespmem:s18], [sflag:$0x1] =	stream.indirect_vreg.gather [hbm:s2], $0x80, v0, vm1, $0x38;
	[tilespmem:$0x10200] =	vst v63  }
0x3a: {  	s16 =	sadd.s32 $0x40, s16;
	v0 =	vld.msk [tilespmem:s17+$0x0 ss:$0x1], $0xffff  }
0x3b: {  	_ =	sdelay $0x3  }
0x3c: {  	v1 =	vshll.u32 v0, $0x5  }
0x3d: {  	vm2 =	veq.s32 v0, $0x80000000;
	v63 =	vshll.u32 v0, $0x14;
	v1 =	vand.u32 $0xFFF80, v1  }
0x3e: {  	v0 =	vand.u32 $0x300000, v63;
	v1 =	vsel vm2, $0xFFFFFF80, v1  }
0x3f: {  	v0 =	vsel vm2, $0xFFF00000, v0;
	v2 =	vand.u32 $0xFFFFFC00, v1  }
0x40: {  	v1 =	vand.u32 $0x380, v1;
	v0 =	vadd.s32 v0, v2  }
0x41: {  	v0 =	vor.u32 v1, v0  }
0x42: {  	v0 =	vshrl.u32 v0, $0x3;
	_ =	sdelay $0x3  }
0x43: {  	s14 =	sadd.s32 $0x800, s15  }
0x44: {  	[tilespmem:s14], [sflag:$0x1] =	stream.indirect_vreg.gather [hbm:s2], $0x80, v0, vm0, $0x38;
	[tilespmem:$0x10200] =	vst v63  }
0x45: {  	s14 =	sadd.s32 $0x400, s14  }
0x46: {  	[tilespmem:s14], [sflag:$0x1] =	stream.indirect_vreg.gather [hbm:s2], $0x80, v0, vm1, $0x38;
	[tilespmem:$0x10200] =	vst v63  }
0x47: {  	s11 =	sshll.u32 s11, $0x4;
	_ =	swait.ge [sflag:s4], $0x8000  }
0x48: {  	s11 =	sadd.s32 s11, s7;
	[sflag:s4] =	ssyncset.done $0x0  }
0x49: {  	s15 =	sadd.s32 $0x0, s11;
	s14 =	simm.s32 $0x80;
	[sflag:s4] =	ssyncadd.s32 $0xFFFF8000  }
.LBB2_5:
0x4a: {  	[hbm:s15] =	stream.linear.scatter [tilespmem:s12], [sflag:$0x3], $0x400, $0x38;
	[tilespmem:$0x10200] =	vst v63  }
0x4b: {  	s15 =	smov.u32 s14;
	s12 =	smov.u32 s13;
	p1 =	sne.s32 s14, $0xF80  }
.Ltmp4:
0x4c: {  	s14 =	sadd.s32 $0x80, s14;
	(pc) =	sbr.rel @p1 .LBB2_5-.Ltmp4, $2  }
0x4d: {  	_ =	sdelay $0x2  }
0x4e: {  	s13 =	sadd.s32 $0x400, s13;
	s15 =	sadd.s32 s15, s11  }
.Ltmp5:
0x4f: {  	(pc) =	sbr.rel .LBB2_7-.Ltmp5, $2  }
0x50: {  	_ =	sdelay $0x2  }
0x51: {  	[hbm:s15] =	stream.linear.scatter [tilespmem:s12], [sflag:$0x3], $0x400, $0x38;
	[tilespmem:$0x10200] =	vst v63  }
.LBB2_8:
0x52: {  	_ =	sfence.sel $0x180000  }
0x53: {  	s2 =	simm.s32 $0x2;
	[bflag:$0x0] =	sbarrier.arrive $0xFFFF  }
0x54: {  	s30 =	simm.s32 $0x3;
	[sflag:s2] =	ssyncpa.u1 $0x1  }
0x55: {  	s31 =	simm.s32 $0x1;
	[sflag:s30] =	ssyncpa.u1 $0x1  }
0x56: {  	[sflag:s31] =	ssyncpa.u1 $0x1  }
0x57: {  	p0 =	sne.s32 s1, $0x0;
	_ =	strace $0x90000047  }
0x58: {  	s0 =	sadd.s32 @!p0 $0x100000, s0;
	[bflag:$0x2] =	sbarrier.arrive $0xFFFF  }
0x59: {  	[sflag:s0] =	ssyncadd.tile.s32 @!p0 $0x1;
	_ =	shalt  }
.Lfunc_end2:
_tile_overlayer_lowered:
.L_overlay_start_2:
0x5a: {  	(tag) =	ssettag $0x2  }
0x5b: {  	s0 =	rddreg [dreg:$0x0];
	s2 =	stileid.u32  }
0x5c: {  	s1 =	rddreg [dreg:$0x1];
	p0 =	sne.s32 s2, $0x0  }
0x5d: {  	s3 =	rddreg [dreg:$0x2];
	[bflag:$0x3] =	sbarrier.arrive $0xFFFF;
	s2 =	simm.s32 @!p0 $0x1C01  }
0x5e: {  	[timem:s3], [sflag:s2] =	dma.local @!p0 [hbm:s0], s1  }
0x5f: {  	s0 =	simm.s32 @!p0 $0x1  }
0x60: {  	_ =	swait.ge @!p0 [sflag:s0], s1  }
0x61: {  	s1 =	ssub.s32 @!p0 $0x0, s1;
	[sflag:s0] =	ssyncset.done @!p0 $0x0  }
0x62: {  	[sflag:s0] =	ssyncadd.s32 @!p0 s1  }
0x63: {  	[bflag:$0x3] =	sbarrier.arrive $0xFFFF  }
0x64: {  	_ =	shalt  }

// kernel: gather_offload_async_start.4
scs
__scs_entry_jumppad:
0x0: {  	(pc) =	sbr.rel $0x88, $3  }
0x1: {  	(tag) =	ssettag $0x0;
	lr =	simm.s32 $0x1  }
0x2: {  	[smem:$0x3F97] =	sst lr;
	_ =	strace $0xD0000000  }
0x3: {  	_ = 	snop  }
0x4: {  	_ = 	snop  }
0x5: {  	_ = 	snop  }
0x6: {  	_ = 	snop  }
0x7: {  	_ = 	snop  }
__scs_overlays_trampoline_lowered:
0x8: {  	[smem:$0x3FA6] =	sst s0  }
0x9: {  	[smem:$0x3FA7] =	sst s1  }
0xa: {  	[smem:$0x3FA8] =	sst s2  }
0xb: {  	[smem:$0x3FA9] =	sst s3  }
0xc: {  	[smem:$0x3FAA] =	sst s4  }
0xd: {  	[smem:$0x3FAB] =	sst s5  }
0xe: {  	[smem:$0x3FAC] =	sst s6  }
0xf: {  	[smem:$0x3FAD] =	sst s7  }
0x10: {  	[smem:$0x3FAE] =	sst s8  }
0x11: {  	[smem:$0x3FAF] =	sst s9;
	s0 =	simm.s32 @!p0 $0x0  }
0x12: {  	s1 =	sld [smem:$0x3F95];
	s0 =	simm.s32 @p0 $0x1  }
0x13: {  	[smem:$0x3FB0] =	sst s0;
	s0 =	simm.s32 @!p1 $0x0  }
0x14: {  	s2 =	sld [smem:$0x3F94];
	s0 =	simm.s32 @p1 $0x1  }
0x15: {  	[smem:$0x3FB1] =	sst s0;
	s0 =	simm.s32 @!p2 $0x0  }
0x16: {  	s3 =	sld [smem:$0x3FDB];
	s0 =	simm.s32 @p2 $0x1  }
0x17: {  	s4 =	simm.s32 $0x1BF5;
	[smem:$0x3FB3] =	sst s0  }
0x18: {  	s0 =	sld [smem:$0x3F96];
	_ =	swait.ge [sflag:s4], $0x0  }
0x19: {  	s7 =	sld [smem:$0x3F97]  }
0x1a: {  	s8 =	sadd.s32 $0xFFFFE003, lr  }
0x1b: {  	s9 =	sadd.s32 $0xFFFFFEF7, lr;
	s5 =	simm.s32 $0xFFFFFFFF;
	p2 =	slt.u32 s8, $0xFFFFF086  }
0x1c: {  	p1 =	slt.u32 s9, $0xF7A;
	s5 =	simm.s32 @!p2 $0x0  }
0x1d: {  	s5 =	simm.s32 @p1 $0x1;
	p0 =	seq.s32 s7, s2  }
0x1e: {  	s7 =	smul.u32 @!p0 $0xF7A, s2;
	p2 =	seq.s32 @!p0 s5, $0x0  }
0x1f: {  	s9 =	smul.u32 $0xF7A, s1;
	s8 =	simm.s32 @!p0 $0x1BF5;
	p2 =	por !p2, p0  }
0x20: {  	[sflag:s8] =	ssyncset.s32 @!p0 $0xFFFFF086;
	s6 =	sadd.s32 @!p0 s3, s7;
	s7 =	simm.s32 @!p0 $0x108  }
0x21: {  	s3 =	sadd.s32 s3, s9;
	s6 =	sadd.s32 @!p0 $0x88, s6;
	s7 =	simm.s32 @p2 $0x1082  }
0x22: {  	[simem:s7], [sflag:s8] =	dma.local @!p0 [hbm:s6], $0xF7A  }
0x23: {  	s9 =	sor.u32 $0xD0000000, s2;
	s6 =	simm.s32 $0x108;
	_ =	swait.ge @!p0 [sflag:s8], $0x0  }
0x24: {  	s3 =	sadd.s32 $0x88, s3;
	s6 =	simm.s32 @!p1 $0x1082;
	[sflag:s4] =	ssyncset.s32 $0xFFFFF086  }
0x25: {  	[simem:s6], [sflag:s4] =	dma.local [hbm:s3], $0xF7A  }
0x26: {  	[smem:$0x3F97] =	sst s1;
	(tag) =	ssettag s2;
	_ =	strace s9  }
0x27: {  	s1 =	sld [smem:$0x3FA7]  }
0x28: {  	s2 =	sld [smem:$0x3FA8]  }
0x29: {  	s4 =	sld [smem:$0x3FAA]  }
0x2a: {  	p0 =	seq.s32 s5, $0x0;
	s5 =	sld [smem:$0x3FAB]  }
0x2b: {  	s6 =	sld [smem:$0x3FAC]  }
0x2c: {  	s7 =	sld [smem:$0x3FAD]  }
0x2d: {  	s3 =	simm.s32 $0x108;
	s8 =	sld [smem:$0x3FAE]  }
0x2e: {  	s3 =	simm.s32 @!p0 $0x1082;
	s9 =	sld [smem:$0x3FAF]  }
0x2f: {  	lr =	sadd.s32 s0, s3;
	s0 =	sld [smem:$0x3FA6]  }
0x30: {  	s3 =	sld [smem:$0x3FA9]  }
0x31: {  	[smem:$0x3FB2] =	sst s10  }
0x32: {  	s10 =	sld [smem:$0x3FB0];
	_ =	sdelay $0x3  }
0x33: {  	p0 =	seq.s32 s10, $0x1;
	s10 =	sld [smem:$0x3FB2];
	_ =	sdelay $0x3  }
0x34: {  	[smem:$0x3FB2] =	sst s10  }
0x35: {  	s10 =	sld [smem:$0x3FB1];
	_ =	sdelay $0x3  }
0x36: {  	p1 =	seq.s32 s10, $0x1;
	s10 =	sld [smem:$0x3FB2];
	_ =	sdelay $0x3  }
0x37: {  	[smem:$0x3FB2] =	sst s10  }
0x38: {  	s10 =	sld [smem:$0x3FB3]  }
0x39: {  	_ = 	snop;
	(pc) =	sbr.ind lr, $3  }
0x3a: {  	_ = 	snop  }
0x3b: {  	_ = 	snop  }
0x3c: {  	p2 =	seq.s32 s10, $0x1;
	s10 =	sld [smem:$0x3FB2]  }
0x3d: {  	_ =	shalt  }
0x3e: {  	_ =	shalt  }
0x3f: {  	_ =	shalt  }
0x40: {  	_ =	shalt  }
0x41: {  	_ =	shalt  }
0x42: {  	_ =	shalt  }
0x43: {  	_ =	shalt  }
0x44: {  	_ =	shalt  }
0x45: {  	_ =	shalt  }
0x46: {  	_ =	shalt  }
0x47: {  	_ =	shalt  }
0x48: {  	_ =	shalt  }
0x49: {  	_ =	shalt  }
0x4a: {  	_ =	shalt  }
0x4b: {  	_ =	shalt  }
0x4c: {  	_ =	shalt  }
0x4d: {  	_ =	shalt  }
0x4e: {  	_ =	shalt  }
0x4f: {  	_ =	shalt  }
0x50: {  	_ =	shalt  }
0x51: {  	_ =	shalt  }
0x52: {  	_ =	shalt  }
0x53: {  	_ =	shalt  }
0x54: {  	_ =	shalt  }
0x55: {  	_ =	shalt  }
0x56: {  	_ =	shalt  }
0x57: {  	_ =	shalt  }
0x58: {  	_ =	shalt  }
0x59: {  	_ =	shalt  }
0x5a: {  	_ =	shalt  }
0x5b: {  	_ =	shalt  }
0x5c: {  	_ =	shalt  }
0x5d: {  	_ =	shalt  }
0x5e: {  	_ =	shalt  }
0x5f: {  	_ =	shalt  }
0x60: {  	_ =	shalt  }
0x61: {  	_ =	shalt  }
0x62: {  	_ =	shalt  }
0x63: {  	_ =	shalt  }
0x64: {  	_ =	shalt  }
0x65: {  	_ =	shalt  }
0x66: {  	_ =	shalt  }
0x67: {  	_ =	shalt  }
0x68: {  	_ =	shalt  }
0x69: {  	_ =	shalt  }
0x6a: {  	_ =	shalt  }
0x6b: {  	_ =	shalt  }
0x6c: {  	_ =	shalt  }
0x6d: {  	_ =	shalt  }
0x6e: {  	_ =	shalt  }
0x6f: {  	_ =	shalt  }
0x70: {  	_ =	shalt  }
0x71: {  	_ =	shalt  }
0x72: {  	_ =	shalt  }
0x73: {  	_ =	shalt  }
0x74: {  	_ =	shalt  }
0x75: {  	_ =	shalt  }
0x76: {  	_ =	shalt  }
0x77: {  	_ =	shalt  }
0x78: {  	_ =	shalt  }
0x79: {  	_ =	shalt  }
0x7a: {  	_ =	shalt  }
0x7b: {  	_ =	shalt  }
0x7c: {  	_ =	shalt  }
0x7d: {  	_ =	shalt  }
0x7e: {  	_ =	shalt  }
0x7f: {  	_ =	shalt  }
0x80: {  	_ =	shalt  }
0x81: {  	_ =	shalt  }
0x82: {  	_ =	shalt  }
0x83: {  	_ =	shalt  }
0x84: {  	_ =	shalt  }
0x85: {  	_ =	shalt  }
0x86: {  	_ =	shalt  }
0x87: {  	_ =	shalt  }
.Lfunc_end0:
.L_simem_size_0:
called_computation.5_lowered:
.L_overlay_start_0:
0x88: {  	s2 =	sld [smem:$0x3FD9]  }
0x89: {  	s3 =	sld [smem:$0x3FFE];
	_ =	sdelay $0x1  }
0x8a: {  	s1 =	srdreg.scid  }
0x8b: {  	s0 =	sand.u32 $0x1, s1  }
0x8c: {  	s16 =	sshll.u32 s0, $0xA;
	s2 =	sadd.s32 s3, s2  }
0x8d: {  	s2 =	sadd.s32 s2, s16  }
0x8e: {  	[smem:$0x3FBE] =	sst s2  }
0x8f: {  	_ = 	snop  }
0x90: {  	(tm) =	ssettm $0x1  }
0x91: {  	s17 =	sld [smem:$0x3FFB];
	_ =	sdelay $0x3  }
0x92: {  	_ =	strace s17  }
0x93: {  	s2 =	sld [smem:$0x3FFC];
	_ =	sdelay $0x3  }
0x94: {  	_ =	strace s2  }
0x95: {  	s2 =	sld [smem:$0x3FFD];
	_ =	sdelay $0x3  }
0x96: {  	_ =	strace s2  }
0x97: {  	_ =	strace $0x8FFFFFFF  }
0x98: {  	s18 =	sld [smem:$0x3FDB];
	_ =	sdelay $0x1  }
0x99: {  	s19 =	simm.s32 $_scs_section_size  }
0x9a: {  	s4 =	simm.s32 $_size__tile_overlayer_lowered;
	s5 =	simm.s32 $_tile_overlayer_lowered  }
0x9b: {  	s22 =	simm.s32 $0x1BFF;
	s21 =	sshll.u32 s5, $0x1;
	s2 =	sadd.s32 s19, s18  }
0x9c: {  	s6 =	simm.s32 $0x0;
	s20 =	sshll.u32 s4, $0x1;
	s4 =	sadd.s32 s21, s2  }
0x9d: {  	[timem:s6], [sflag:s22] =	dma.local [hbm:s4], s20  }
0x9e: {  	_ =	swait.ge [sflag:s22], s20  }
0x9f: {  	s3 =	ssub.s32 $0x0, s20;
	[sflag:s22] =	ssyncset.done $0x0  }
0xa0: {  	[sflag:s22] =	ssyncadd.s32 s3;
	_ =	sdelay $0x1  }
0xa1: {  	s23 =	simm.s32 $0x1B8B  }
0xa2: {  	_ =	swait.ge [sflag:s23], $0x1  }
0xa3: {  	[sflag:s23] =	ssyncset.done $0x0  }
0xa4: {  	s25 =	simm.s32 $0x1B8E;
	s24 =	sld [smem:$0x3FFE];
	[sflag:s23] =	ssyncadd.s32 $0xFFFFFFFF  }
0xa5: {  	s26 =	simm.s32 $execute0_lowered;
	[smem:$0x3FD2] =	sst s25  }
0xa6: {  	s4 =	sshll.u32 s26, $0x1;
	_ =	strace $0x80000055;
	[dreg:$0x1] =	wrdreg $0xFFFFFFFF  }
0xa7: {  	s28 =	simm.s32 $_size_execute0_lowered;
	s2 =	sadd.s32 s2, s4;
	[dreg:$0x0] =	wrdreg $0x0  }
0xa8: {  	s4 =	sshll.u32 s28, $0x1;
	[dreg:$0x2] =	wrdreg s2  }
0xa9: {  	[dreg:$0x3] =	wrdreg s4  }
0xaa: {  	[dreg:$0x4] =	wrdreg $0xC0  }
0xab: {  	_ =	task [dreg:s6], $0x5FFFF  }
0xac: {  	[dreg:$0x1] =	wrdreg $0xFFFFFFFF  }
0xad: {  	[dreg:$0x0] =	wrdreg $0x60  }
0xae: {  	[dreg:$0x2] =	wrdreg s24  }
0xaf: {  	[dreg:$0x3] =	wrdreg $0x9  }
0xb0: {  	_ =	task.clear_ibuf [dreg:s6], $0x4FFFF;
	_ =	strace $0x90000055  }
0xb1: {  	s29 =	simm.s32 $0x9;
	_ =	strace $0x80000057  }
0xb2: {  	_ =	swait.ge [sflag:s29], $0x1  }
0xb3: {  	[sflag:s29] =	ssyncadd.s32 $0xFFFFFFFF  }
0xb4: {  	_ =	strace $0x90000057  }
0xb5: {  	_ =	sfence  }
0xb6: {  	s30 =	sld [smem:$0x0];
	_ =	sdelay $0x2  }
0xb7: {  	s31 =	sshll.u32 s1, $0xD;
	s1 =	sshrl.u32 s1, $0x2  }
0xb8: {  	s3 =	sand.u32 $0x4000, s31;
	s1 =	sadd.s32 s1, s30  }
0xb9: {  	s0 =	sor.u32 s3, s0;
	s1 =	sshll.u32 s1, $0x11  }
0xba: {  	s0 =	sor.u32 s1, s0  }
0xbb: {  	s0 =	sadd.s32 $0x8F2B, s0  }
0xbc: {  	[sflag:s0] =	ssyncadd.remote.s32 $0x1  }
0xbd: {  	_ =	sfence.sel $0xFFFF  }
0xbe: {  	[dreg:$0x0] =	wrdreg $0xFFFFFFFF;
	(pc) =	sbr.abs _section_cstart, $3  }
0xbf: {  	[dreg:$0x1] =	wrdreg $0xFFFFFFFF  }
0xc0: {  	_ =	task.clear_ibuf [dreg:s6], $0x2FFFF;
	_ =	strace $0x9FFFFFFF  }
0xc1: {  	(tm) =	ssettm $0x7FFFFFFF  }
tec
execute0_lowered:
.L_overlay_start_1:
0x0: {  	(tag) =	ssettag $0x1  }
0x1: {  	s2 =	rddreg [dreg:$0x0]  }
0x2: {  	s0 =	rddreg [dreg:$0x1]  }
0x3: {  	s1 =	srdreg.scid;
	_ =	strace $0x80000056;
	s4 =	simm.s32 $0x1  }
0x4: {  	s9 =	simm.s32 $0x3;
	s11 =	simm.s32 $0x0;
	s5 =	sshll.u32 s1, $0x4  }
.Ltmp0:
0x5: {  	s1 =	stileid.u32;
	s5 =	sand.u32 $0x10, s5;
	(pc) =	sbr.rel .LBB2_1-.Ltmp0, $4  }
0x6: {  	p0 =	por $0x0, $0x0;
	s3 =	sadd.s32 $0x501200, s2;
	s6 =	sor.u32 s1, s5  }
0x7: {  	[sflag:s4] =	ssyncpa.u1 $0x0;
	s5 =	simm.s32 $0x2;
	s6 =	sshll.u32 s6, $0xA  }
0x8: {  	s7 =	sadd.s32 $0x81000, s2;
	[sflag:s5] =	ssyncpa.u1 $0x0;
	s8 =	sadd.s32 $0x400, s6  }
0x9: {  	vm0 =	vmmov $0xff;
	vm1 =	vcmask $0x3F20;
	[sflag:s9] =	ssyncpa.u1 $0x0;
	s10 =	smov.u32 s6;
	s9 =	simm.s32 $0x0  }
.LBB2_7:
0xa: {  	p1 =	slt.u32 s9, $0x2;
	s11 =	sadd.s32 $0x100, s10  }
0xb: {  	s13 =	smov.u32 s6;
	s9 =	sadd.s32 $0x1, s9;
	p2 =	slt.s32 s11, s8  }
0xc: {  	s13 =	smov.u32 @p2 s11;
	p2 =	sne.s32 s9, $0x6  }
.Ltmp1:
0xd: {  	_ = 	snop;
	(pc) =	sbr.rel @!p2 .LBB2_8-.Ltmp1, $4  }
0xe: {  	s12 =	simm.s32 @!p1 $0x3  }
0xf: {  	_ =	swait.ge @!p1 [sflag:s12], $0x8000  }
0x10: {  	p0 =	por !p0, !p0;
	[sflag:s12] =	ssyncset.done @!p1 $0x0  }
0x11: {  	s11 =	smov.u32 s10;
	s10 =	smov.u32 s13;
	[sflag:s12] =	ssyncadd.s32 @!p1 $0xFFFF8000  }
.LBB2_1:
0x12: {  	p1 =	sgt.u32 s9, $0x3  }
0x13: {  	s12 =	sxor.u32 @!p1 $0xFFFFFFFF, s9  }
0x14: {  	s13 =	sshrl.u32 @!p1 s10, $0x3;
	s12 =	sshll.u32 @!p1 s12, $0x8  }
0x15: {  	s14 =	sand.u32 @!p1 $0x7, s10;
	s13 =	sadd.s32 @!p1 s3, s13;
	s12 =	sand.u32 @!p1 $0x100, s12  }
0x16: {  	[tilespmem:s12], [sflag:$0x2] =	stream.linear.gather @!p1 [hbm4b:s13+s14], $0x100, $0x38;
	[tilespmem:$0x10200] =	vst v63  }
0x17: {  	p1 =	seq.s32 s9, $0x0  }
0x18: {  	p2 =	seq.s32 @!p1 s9, $0x5  }
0x19: {  	p1 =	por p1, p2  }
.Ltmp2:
0x1a: {  	_ = 	snop;
	(pc) =	sbr.rel @p1 .LBB2_7-.Ltmp2, $1  }
0x1b: {  	_ =	sdelay $0x3  }
0x1c: {  	s12 =	simm.s32 $0x1  }
0x1d: {  	_ =	swait.ge [sflag:s5], $0x100;
	s12 =	simm.s32 @!p0 $0x0  }
0x1e: {  	[sflag:s5] =	ssyncset.done $0x0;
	s14 =	sshll.u32 s12, $0x8  }
0x1f: {  	[sflag:s5] =	ssyncadd.s32 $0xFFFFFF00;
	s13 =	sadd.s32 $0x0, s14  }
0x20: {  	v0 =	vld.msk [tilespmem:s13+$0x0 ss:$0x1], $0xffff;
	_ =	sdelay $0x4  }
0x21: {  	v1 =	vshll.u32 v0, $0x5  }
0x22: {  	vm2 =	veq.s32 v0, $0x80000000;
	v0 =	vshll.u32 v0, $0x14;
	v1 =	vand.u32 $0xFFF80, v1  }
0x23: {  	v0 =	vand.u32 $0x300000, v0;
	v1 =	vsel vm2, $0xFFFFFF80, v1  }
0x24: {  	v0 =	vsel vm2, $0xFFF00000, v0;
	v2 =	vand.u32 $0xFFFFFC00, v1  }
0x25: {  	v1 =	vand.u32 $0x380, v1;
	v0 =	vadd.s32 v0, v2  }
0x26: {  	v0 =	vor.u32 v1, v0  }
0x27: {  	v0 =	vshrl.u32 v0, $0x3;
	_ =	sdelay $0x2  }
0x28: {  	s12 =	sshll.u32 s12, $0xF  }
0x29: {  	s12 =	sor.u32 $0x200, s12  }
0x2a: {  	[tilespmem:s12], [sflag:$0x1] =	stream.indirect_vreg.gather [hbm:s2], $0x80, v0, vm0, $0x38;
	[tilespmem:$0x10200] =	vst v63  }
0x2b: {  	s15 =	sadd.s32 $0x10, s14;
	s13 =	sadd.s32 $0x400, s12  }
0x2c: {  	[tilespmem:s13], [sflag:$0x1] =	stream.indirect_vreg.gather [hbm:s2], $0x80, v0, vm1, $0x38;
	[tilespmem:$0x10200] =	vst v63  }
0x2d: {  	s16 =	simm.s32 $0x80;
	v0 =	vld.msk [tilespmem:s15+$0x0 ss:$0x1], $0xffff;
	s15 =	smov.u32 s12  }
.LBB2_3:
0x2e: {  	p1 =	sne.s32 s16, $0x3C0;
	_ =	sdelay $0x4  }
0x2f: {  	v1 =	vshll.u32 v0, $0x5  }
0x30: {  	vm2 =	veq.s32 v0, $0x80000000;
	v0 =	vshll.u32 v0, $0x14;
	v1 =	vand.u32 $0xFFF80, v1  }
0x31: {  	v0 =	vand.u32 $0x300000, v0;
	v1 =	vsel vm2, $0xFFFFFF80, v1  }
0x32: {  	v0 =	vsel vm2, $0xFFF00000, v0;
	v2 =	vand.u32 $0xFFFFFC00, v1  }
0x33: {  	v1 =	vand.u32 $0x380, v1;
	v0 =	vadd.s32 v0, v2  }
0x34: {  	v0 =	vor.u32 v1, v0  }
0x35: {  	v0 =	vshrl.u32 v0, $0x3;
	_ =	sdelay $0x3  }
.Ltmp3:
0x36: {  	s17 =	sshra.s32 s16, $0x2;
	s15 =	sadd.s32 $0x800, s15;
	(pc) =	sbr.rel @p1 .LBB2_3-.Ltmp3, $4  }
0x37: {  	[tilespmem:s15], [sflag:$0x1] =	stream.indirect_vreg.gather [hbm:s2], $0x80, v0, vm0, $0x38;
	[tilespmem:$0x10200] =	vst v63  }
0x38: {  	s17 =	sadd.s32 s17, s14;
	s18 =	sadd.s32 $0x400, s15  }
0x39: {  	[tilespmem:s18], [sflag:$0x1] =	stream.indirect_vreg.gather [hbm:s2], $0x80, v0, vm1, $0x38;
	[tilespmem:$0x10200] =	vst v63  }
0x3a: {  	s16 =	sadd.s32 $0x40, s16;
	v0 =	vld.msk [tilespmem:s17+$0x0 ss:$0x1], $0xffff  }
0x3b: {  	_ =	sdelay $0x3  }
0x3c: {  	v1 =	vshll.u32 v0, $0x5  }
0x3d: {  	vm2 =	veq.s32 v0, $0x80000000;
	v63 =	vshll.u32 v0, $0x14;
	v1 =	vand.u32 $0xFFF80, v1  }
0x3e: {  	v0 =	vand.u32 $0x300000, v63;
	v1 =	vsel vm2, $0xFFFFFF80, v1  }
0x3f: {  	v0 =	vsel vm2, $0xFFF00000, v0;
	v2 =	vand.u32 $0xFFFFFC00, v1  }
0x40: {  	v1 =	vand.u32 $0x380, v1;
	v0 =	vadd.s32 v0, v2  }
0x41: {  	v0 =	vor.u32 v1, v0  }
0x42: {  	v0 =	vshrl.u32 v0, $0x3;
	_ =	sdelay $0x3  }
0x43: {  	s14 =	sadd.s32 $0x800, s15  }
0x44: {  	[tilespmem:s14], [sflag:$0x1] =	stream.indirect_vreg.gather [hbm:s2], $0x80, v0, vm0, $0x38;
	[tilespmem:$0x10200] =	vst v63  }
0x45: {  	s14 =	sadd.s32 $0x400, s14  }
0x46: {  	[tilespmem:s14], [sflag:$0x1] =	stream.indirect_vreg.gather [hbm:s2], $0x80, v0, vm1, $0x38;
	[tilespmem:$0x10200] =	vst v63  }
0x47: {  	s11 =	sshll.u32 s11, $0x4;
	_ =	swait.ge [sflag:s4], $0x8000  }
0x48: {  	s11 =	sadd.s32 s11, s7;
	[sflag:s4] =	ssyncset.done $0x0  }
0x49: {  	s15 =	sadd.s32 $0x0, s11;
	s14 =	simm.s32 $0x80;
	[sflag:s4] =	ssyncadd.s32 $0xFFFF8000  }
.LBB2_5:
0x4a: {  	[hbm:s15] =	stream.linear.scatter [tilespmem:s12], [sflag:$0x3], $0x400, $0x38;
	[tilespmem:$0x10200] =	vst v63  }
0x4b: {  	s15 =	smov.u32 s14;
	s12 =	smov.u32 s13;
	p1 =	sne.s32 s14, $0xF80  }
.Ltmp4:
0x4c: {  	s14 =	sadd.s32 $0x80, s14;
	(pc) =	sbr.rel @p1 .LBB2_5-.Ltmp4, $2  }
0x4d: {  	_ =	sdelay $0x2  }
0x4e: {  	s13 =	sadd.s32 $0x400, s13;
	s15 =	sadd.s32 s15, s11  }
.Ltmp5:
0x4f: {  	(pc) =	sbr.rel .LBB2_7-.Ltmp5, $2  }
0x50: {  	_ =	sdelay $0x2  }
0x51: {  	[hbm:s15] =	stream.linear.scatter [tilespmem:s12], [sflag:$0x3], $0x400, $0x38;
	[tilespmem:$0x10200] =	vst v63  }
.LBB2_8:
0x52: {  	_ =	sfence.sel $0x180000  }
0x53: {  	s2 =	simm.s32 $0x2;
	[bflag:$0x0] =	sbarrier.arrive $0xFFFF  }
0x54: {  	s30 =	simm.s32 $0x3;
	[sflag:s2] =	ssyncpa.u1 $0x1  }
0x55: {  	s31 =	simm.s32 $0x1;
	[sflag:s30] =	ssyncpa.u1 $0x1  }
0x56: {  	[sflag:s31] =	ssyncpa.u1 $0x1  }
0x57: {  	p0 =	sne.s32 s1, $0x0;
	_ =	strace $0x90000056  }
0x58: {  	s0 =	sadd.s32 @!p0 $0x100000, s0;
	[bflag:$0x2] =	sbarrier.arrive $0xFFFF  }
0x59: {  	[sflag:s0] =	ssyncadd.tile.s32 @!p0 $0x1;
	_ =	shalt  }
.Lfunc_end2:
_tile_overlayer_lowered:
.L_overlay_start_2:
0x5a: {  	(tag) =	ssettag $0x2  }
0x5b: {  	s0 =	rddreg [dreg:$0x0];
	s2 =	stileid.u32  }
0x5c: {  	s1 =	rddreg [dreg:$0x1];
	p0 =	sne.s32 s2, $0x0  }
0x5d: {  	s3 =	rddreg [dreg:$0x2];
	[bflag:$0x3] =	sbarrier.arrive $0xFFFF;
	s2 =	simm.s32 @!p0 $0x1C01  }
0x5e: {  	[timem:s3], [sflag:s2] =	dma.local @!p0 [hbm:s0], s1  }
0x5f: {  	s0 =	simm.s32 @!p0 $0x1  }
0x60: {  	_ =	swait.ge @!p0 [sflag:s0], s1  }
0x61: {  	s1 =	ssub.s32 @!p0 $0x0, s1;
	[sflag:s0] =	ssyncset.done @!p0 $0x0  }
0x62: {  	[sflag:s0] =	ssyncadd.s32 @!p0 s1  }
0x63: {  	[bflag:$0x3] =	sbarrier.arrive $0xFFFF  }
0x64: {  	_ =	shalt  }

// kernel: gather_offload_async_start
scs
__scs_entry_jumppad:
0x0: {  	(pc) =	sbr.rel $0x88, $3  }
0x1: {  	(tag) =	ssettag $0x0;
	lr =	simm.s32 $0x1  }
0x2: {  	[smem:$0x3F97] =	sst lr;
	_ =	strace $0xD0000000  }
0x3: {  	_ = 	snop  }
0x4: {  	_ = 	snop  }
0x5: {  	_ = 	snop  }
0x6: {  	_ = 	snop  }
0x7: {  	_ = 	snop  }
__scs_overlays_trampoline_lowered:
0x8: {  	[smem:$0x3FA6] =	sst s0  }
0x9: {  	[smem:$0x3FA7] =	sst s1  }
0xa: {  	[smem:$0x3FA8] =	sst s2  }
0xb: {  	[smem:$0x3FA9] =	sst s3  }
0xc: {  	[smem:$0x3FAA] =	sst s4  }
0xd: {  	[smem:$0x3FAB] =	sst s5  }
0xe: {  	[smem:$0x3FAC] =	sst s6  }
0xf: {  	[smem:$0x3FAD] =	sst s7  }
0x10: {  	[smem:$0x3FAE] =	sst s8  }
0x11: {  	[smem:$0x3FAF] =	sst s9;
	s0 =	simm.s32 @!p0 $0x0  }
0x12: {  	s1 =	sld [smem:$0x3F95];
	s0 =	simm.s32 @p0 $0x1  }
0x13: {  	[smem:$0x3FB0] =	sst s0;
	s0 =	simm.s32 @!p1 $0x0  }
0x14: {  	s2 =	sld [smem:$0x3F94];
	s0 =	simm.s32 @p1 $0x1  }
0x15: {  	[smem:$0x3FB1] =	sst s0;
	s0 =	simm.s32 @!p2 $0x0  }
0x16: {  	s3 =	sld [smem:$0x3FDB];
	s0 =	simm.s32 @p2 $0x1  }
0x17: {  	s4 =	simm.s32 $0x1BF5;
	[smem:$0x3FB3] =	sst s0  }
0x18: {  	s0 =	sld [smem:$0x3F96];
	_ =	swait.ge [sflag:s4], $0x0  }
0x19: {  	s7 =	sld [smem:$0x3F97]  }
0x1a: {  	s8 =	sadd.s32 $0xFFFFE003, lr  }
0x1b: {  	s9 =	sadd.s32 $0xFFFFFEF7, lr;
	s5 =	simm.s32 $0xFFFFFFFF;
	p2 =	slt.u32 s8, $0xFFFFF086  }
0x1c: {  	p1 =	slt.u32 s9, $0xF7A;
	s5 =	simm.s32 @!p2 $0x0  }
0x1d: {  	s5 =	simm.s32 @p1 $0x1;
	p0 =	seq.s32 s7, s2  }
0x1e: {  	s7 =	smul.u32 @!p0 $0xF7A, s2;
	p2 =	seq.s32 @!p0 s5, $0x0  }
0x1f: {  	s9 =	smul.u32 $0xF7A, s1;
	s8 =	simm.s32 @!p0 $0x1BF5;
	p2 =	por !p2, p0  }
0x20: {  	[sflag:s8] =	ssyncset.s32 @!p0 $0xFFFFF086;
	s6 =	sadd.s32 @!p0 s3, s7;
	s7 =	simm.s32 @!p0 $0x108  }
0x21: {  	s3 =	sadd.s32 s3, s9;
	s6 =	sadd.s32 @!p0 $0x88, s6;
	s7 =	simm.s32 @p2 $0x1082  }
0x22: {  	[simem:s7], [sflag:s8] =	dma.local @!p0 [hbm:s6], $0xF7A  }
0x23: {  	s9 =	sor.u32 $0xD0000000, s2;
	s6 =	simm.s32 $0x108;
	_ =	swait.ge @!p0 [sflag:s8], $0x0  }
0x24: {  	s3 =	sadd.s32 $0x88, s3;
	s6 =	simm.s32 @!p1 $0x1082;
	[sflag:s4] =	ssyncset.s32 $0xFFFFF086  }
0x25: {  	[simem:s6], [sflag:s4] =	dma.local [hbm:s3], $0xF7A  }
0x26: {  	[smem:$0x3F97] =	sst s1;
	(tag) =	ssettag s2;
	_ =	strace s9  }
0x27: {  	s1 =	sld [smem:$0x3FA7]  }
0x28: {  	s2 =	sld [smem:$0x3FA8]  }
0x29: {  	s4 =	sld [smem:$0x3FAA]  }
0x2a: {  	p0 =	seq.s32 s5, $0x0;
	s5 =	sld [smem:$0x3FAB]  }
0x2b: {  	s6 =	sld [smem:$0x3FAC]  }
0x2c: {  	s7 =	sld [smem:$0x3FAD]  }
0x2d: {  	s3 =	simm.s32 $0x108;
	s8 =	sld [smem:$0x3FAE]  }
0x2e: {  	s3 =	simm.s32 @!p0 $0x1082;
	s9 =	sld [smem:$0x3FAF]  }
0x2f: {  	lr =	sadd.s32 s0, s3;
	s0 =	sld [smem:$0x3FA6]  }
0x30: {  	s3 =	sld [smem:$0x3FA9]  }
0x31: {  	[smem:$0x3FB2] =	sst s10  }
0x32: {  	s10 =	sld [smem:$0x3FB0];
	_ =	sdelay $0x3  }
0x33: {  	p0 =	seq.s32 s10, $0x1;
	s10 =	sld [smem:$0x3FB2];
	_ =	sdelay $0x3  }
0x34: {  	[smem:$0x3FB2] =	sst s10  }
0x35: {  	s10 =	sld [smem:$0x3FB1];
	_ =	sdelay $0x3  }
0x36: {  	p1 =	seq.s32 s10, $0x1;
	s10 =	sld [smem:$0x3FB2];
	_ =	sdelay $0x3  }
0x37: {  	[smem:$0x3FB2] =	sst s10  }
0x38: {  	s10 =	sld [smem:$0x3FB3]  }
0x39: {  	_ = 	snop;
	(pc) =	sbr.ind lr, $3  }
0x3a: {  	_ = 	snop  }
0x3b: {  	_ = 	snop  }
0x3c: {  	p2 =	seq.s32 s10, $0x1;
	s10 =	sld [smem:$0x3FB2]  }
0x3d: {  	_ =	shalt  }
0x3e: {  	_ =	shalt  }
0x3f: {  	_ =	shalt  }
0x40: {  	_ =	shalt  }
0x41: {  	_ =	shalt  }
0x42: {  	_ =	shalt  }
0x43: {  	_ =	shalt  }
0x44: {  	_ =	shalt  }
0x45: {  	_ =	shalt  }
0x46: {  	_ =	shalt  }
0x47: {  	_ =	shalt  }
0x48: {  	_ =	shalt  }
0x49: {  	_ =	shalt  }
0x4a: {  	_ =	shalt  }
0x4b: {  	_ =	shalt  }
0x4c: {  	_ =	shalt  }
0x4d: {  	_ =	shalt  }
0x4e: {  	_ =	shalt  }
0x4f: {  	_ =	shalt  }
0x50: {  	_ =	shalt  }
0x51: {  	_ =	shalt  }
0x52: {  	_ =	shalt  }
0x53: {  	_ =	shalt  }
0x54: {  	_ =	shalt  }
0x55: {  	_ =	shalt  }
0x56: {  	_ =	shalt  }
0x57: {  	_ =	shalt  }
0x58: {  	_ =	shalt  }
0x59: {  	_ =	shalt  }
0x5a: {  	_ =	shalt  }
0x5b: {  	_ =	shalt  }
0x5c: {  	_ =	shalt  }
0x5d: {  	_ =	shalt  }
0x5e: {  	_ =	shalt  }
0x5f: {  	_ =	shalt  }
0x60: {  	_ =	shalt  }
0x61: {  	_ =	shalt  }
0x62: {  	_ =	shalt  }
0x63: {  	_ =	shalt  }
0x64: {  	_ =	shalt  }
0x65: {  	_ =	shalt  }
0x66: {  	_ =	shalt  }
0x67: {  	_ =	shalt  }
0x68: {  	_ =	shalt  }
0x69: {  	_ =	shalt  }
0x6a: {  	_ =	shalt  }
0x6b: {  	_ =	shalt  }
0x6c: {  	_ =	shalt  }
0x6d: {  	_ =	shalt  }
0x6e: {  	_ =	shalt  }
0x6f: {  	_ =	shalt  }
0x70: {  	_ =	shalt  }
0x71: {  	_ =	shalt  }
0x72: {  	_ =	shalt  }
0x73: {  	_ =	shalt  }
0x74: {  	_ =	shalt  }
0x75: {  	_ =	shalt  }
0x76: {  	_ =	shalt  }
0x77: {  	_ =	shalt  }
0x78: {  	_ =	shalt  }
0x79: {  	_ =	shalt  }
0x7a: {  	_ =	shalt  }
0x7b: {  	_ =	shalt  }
0x7c: {  	_ =	shalt  }
0x7d: {  	_ =	shalt  }
0x7e: {  	_ =	shalt  }
0x7f: {  	_ =	shalt  }
0x80: {  	_ =	shalt  }
0x81: {  	_ =	shalt  }
0x82: {  	_ =	shalt  }
0x83: {  	_ =	shalt  }
0x84: {  	_ =	shalt  }
0x85: {  	_ =	shalt  }
0x86: {  	_ =	shalt  }
0x87: {  	_ =	shalt  }
.Lfunc_end0:
.L_simem_size_0:
called_computation.1_lowered:
.L_overlay_start_0:
0x88: {  	s2 =	sld [smem:$0x3FD9]  }
0x89: {  	s3 =	sld [smem:$0x3FFE];
	_ =	sdelay $0x1  }
0x8a: {  	s1 =	srdreg.scid  }
0x8b: {  	s0 =	sand.u32 $0x1, s1  }
0x8c: {  	s15 =	sshll.u32 s0, $0xA;
	s2 =	sadd.s32 s3, s2  }
0x8d: {  	s2 =	sadd.s32 s2, s15  }
0x8e: {  	[smem:$0x3FBE] =	sst s2  }
0x8f: {  	_ = 	snop  }
0x90: {  	s2 =	sld [smem:$0x3FD0];
	_ =	sdelay $0x2  }
0x91: {  	s16 =	simm.s32 $0xD;
	s4 =	simm.s32 $0x10  }
0x92: {  	[smem:s4], [sflag:s16] =	dma.local [hbm:s2], $0x1  }
0x93: {  	_ =	swait.eq [sflag:s16], $0x1  }
0x94: {  	[sflag:s16] =	ssyncset.done $0x0  }
0x95: {  	[sflag:s16] =	ssyncadd.s32 $0xFFFFFFFF  }
0x96: {  	s17 =	sld [smem:$0x11];
	(tm) =	ssettm $0x1  }
0x97: {  	s18 =	sld [smem:$0x3FFB];
	_ =	sdelay $0x3  }
0x98: {  	_ =	strace s18  }
0x99: {  	s2 =	sld [smem:$0x3FFC];
	_ =	sdelay $0x3  }
0x9a: {  	_ =	strace s2  }
0x9b: {  	s2 =	sld [smem:$0x3FFD];
	_ =	sdelay $0x3  }
0x9c: {  	_ =	strace s2  }
0x9d: {  	_ =	strace $0x8FFFFFFF  }
0x9e: {  	s19 =	sld [smem:$0x3FDB];
	_ =	sdelay $0x1  }
0x9f: {  	s20 =	simm.s32 $_scs_section_size  }
0xa0: {  	s5 =	simm.s32 $_size__tile_overlayer_lowered;
	s6 =	simm.s32 $_tile_overlayer_lowered  }
0xa1: {  	s7 =	simm.s32 $0x1BFF;
	s21 =	sshll.u32 s6, $0x1;
	s4 =	sadd.s32 s20, s19  }
0xa2: {  	s22 =	simm.s32 $0x0;
	s5 =	sshll.u32 s5, $0x1;
	s6 =	sadd.s32 s21, s4  }
0xa3: {  	[timem:s22], [sflag:s7] =	dma.local [hbm:s6], s5  }
0xa4: {  	_ =	swait.ge [sflag:s7], s5  }
0xa5: {  	s5 =	ssub.s32 $0x0, s5;
	[sflag:s7] =	ssyncset.done $0x0  }
0xa6: {  	[sflag:s7] =	ssyncadd.s32 s5;
	_ =	sdelay $0x1  }
0xa7: {  	s23 =	simm.s32 $0x1B8B  }
0xa8: {  	_ =	swait.ge [sflag:s23], $0x1  }
0xa9: {  	[sflag:s23] =	ssyncset.done $0x0  }
0xaa: {  	[sflag:s23] =	ssyncadd.s32 $0xFFFFFFFF  }
0xab: {  	s5 =	sld [smem:$0x0]  }
0xac: {  	s6 =	sand.u32 $0xFFFFFFFE, s1  }
0xad: {  	p0 =	sne.s32 s1, s6  }
0xae: {  	s6 =	sshll.u32 @p0 s6, $0xE  }
0xaf: {  	s6 =	sadd.s32 @p0 $0x11B8D, s6;
	s7 =	sshll.u32 @p0 s5, $0x11  }
0xb0: {  	s6 =	sor.u32 @p0 s7, s6  }
0xb1: {  	[sflag:s6] =	ssyncadd.remote.s32 @p0 $0x1;
	_ =	sdelay $0x1  }
0xb2: {  	s6 =	simm.s32 @p0 $0x1B8D  }
0xb3: {  	_ =	swait.eq @p0 [sflag:s6], $0x1  }
0xb4: {  	[sflag:s6] =	ssyncadd.s32 @p0 $0xFFFFFFFF  }
0xb5: {  	s7 =	sshll.u32 @!p0 s1, $0xE  }
0xb6: {  	s7 =	sor.u32 @!p0 $0x4000, s7;
	s6 =	simm.s32 @!p0 $0x1B8D  }
0xb7: {  	s5 =	sshll.u32 @!p0 s5, $0x11;
	s7 =	sadd.s32 @!p0 $0x11B8D, s7;
	_ =	swait.eq @!p0 [sflag:s6], $0x1  }
0xb8: {  	s5 =	sor.u32 @!p0 s5, s7;
	[sflag:s6] =	ssyncadd.s32 @!p0 $0xFFFFFFFF  }
0xb9: {  	s25 =	simm.s32 $0x1B8E;
	s24 =	sld [smem:$0x3FFE];
	[sflag:s5] =	ssyncadd.remote.s32 @!p0 $0x1  }
0xba: {  	s26 =	simm.s32 $execute0_lowered;
	[smem:$0x3FD2] =	sst s25  }
0xbb: {  	s6 =	sshll.u32 s26, $0x1;
	_ =	strace $0x80000052;
	[dreg:$0x1] =	wrdreg $0xFFFFFFFF  }
0xbc: {  	s28 =	simm.s32 $_size_execute0_lowered;
	s4 =	sadd.s32 s4, s6;
	[dreg:$0x0] =	wrdreg $0x0  }
0xbd: {  	s6 =	sshll.u32 s28, $0x1;
	[dreg:$0x2] =	wrdreg s4  }
0xbe: {  	[dreg:$0x3] =	wrdreg s6  }
0xbf: {  	[dreg:$0x4] =	wrdreg $0xC0  }
0xc0: {  	_ =	task [dreg:s22], $0x5FFFF  }
0xc1: {  	[dreg:$0x1] =	wrdreg $0xFFFFFFFF  }
0xc2: {  	[dreg:$0x0] =	wrdreg $0x60  }
0xc3: {  	[dreg:$0x2] =	wrdreg s24  }
0xc4: {  	[dreg:$0x3] =	wrdreg s17  }
0xc5: {  	[dreg:$0x4] =	wrdreg $0xA  }
0xc6: {  	_ =	task.clear_ibuf [dreg:s22], $0x5FFFF;
	_ =	strace $0x90000052  }
0xc7: {  	s29 =	simm.s32 $0xA;
	_ =	strace $0x80000054  }
0xc8: {  	_ =	swait.ge [sflag:s29], $0x1  }
0xc9: {  	[sflag:s29] =	ssyncadd.s32 $0xFFFFFFFF  }
0xca: {  	_ =	strace $0x90000054  }
0xcb: {  	_ =	sfence  }
0xcc: {  	s30 =	sld [smem:$0x0];
	_ =	sdelay $0x2  }
0xcd: {  	s31 =	sshll.u32 s1, $0xD;
	s1 =	sshrl.u32 s1, $0x2  }
0xce: {  	s4 =	sand.u32 $0x4000, s31;
	s1 =	sadd.s32 s1, s30  }
0xcf: {  	s0 =	sor.u32 s4, s0;
	s1 =	sshll.u32 s1, $0x11  }
0xd0: {  	s0 =	sor.u32 s1, s0  }
0xd1: {  	s0 =	sadd.s32 $0x8F2B, s0  }
0xd2: {  	[sflag:s0] =	ssyncadd.remote.s32 $0x1  }
0xd3: {  	_ =	sfence.sel $0xFFFF  }
0xd4: {  	[dreg:$0x0] =	wrdreg $0xFFFFFFFF;
	(pc) =	sbr.abs _section_cstart, $3  }
0xd5: {  	[dreg:$0x1] =	wrdreg $0xFFFFFFFF  }
0xd6: {  	_ =	task.clear_ibuf [dreg:s22], $0x2FFFF;
	_ =	strace $0x9FFFFFFF  }
0xd7: {  	(tm) =	ssettm $0x7FFFFFFF  }
tec
execute0_lowered:
.L_overlay_start_1:
0x0: {  	(tag) =	ssettag $0x1  }
0x1: {  	s7 =	rddreg [dreg:$0x0]  }
0x2: {  	s2 =	rddreg [dreg:$0x1]  }
0x3: {  	s0 =	rddreg [dreg:$0x2]  }
0x4: {  	s1 =	srdreg.scid;
	_ =	strace $0x80000053;
	s4 =	simm.s32 $0x1  }
0x5: {  	s9 =	simm.s32 $0x3;
	s11 =	simm.s32 $0x0;
	s5 =	sshll.u32 s1, $0x4  }
.Ltmp0:
0x6: {  	s1 =	stileid.u32;
	s5 =	sand.u32 $0x10, s5;
	(pc) =	sbr.rel .LBB2_1-.Ltmp0, $4  }
0x7: {  	p0 =	por $0x0, $0x0;
	s3 =	sadd.s32 $0x301000, s7;
	s6 =	sor.u32 s1, s5  }
0x8: {  	[sflag:s4] =	ssyncpa.u1 $0x0;
	s5 =	simm.s32 $0x2;
	s6 =	sshll.u32 s6, $0xA  }
0x9: {  	s7 =	sadd.s32 $0x481000, s7;
	[sflag:s5] =	ssyncpa.u1 $0x0;
	s8 =	sadd.s32 $0x400, s6  }
0xa: {  	vm0 =	vmmov $0xff;
	vm1 =	vcmask $0x3F20;
	[sflag:s9] =	ssyncpa.u1 $0x0;
	s10 =	smov.u32 s6;
	s9 =	simm.s32 $0x0  }
.LBB2_7:
0xb: {  	p1 =	slt.u32 s9, $0x2;
	s11 =	sadd.s32 $0x100, s10  }
0xc: {  	s13 =	smov.u32 s6;
	s9 =	sadd.s32 $0x1, s9;
	p2 =	slt.s32 s11, s8  }
0xd: {  	s13 =	smov.u32 @p2 s11;
	p2 =	sne.s32 s9, $0x6  }
.Ltmp1:
0xe: {  	_ = 	snop;
	(pc) =	sbr.rel @!p2 .LBB2_8-.Ltmp1, $4  }
0xf: {  	s12 =	simm.s32 @!p1 $0x3  }
0x10: {  	_ =	swait.ge @!p1 [sflag:s12], $0x8000  }
0x11: {  	p0 =	por !p0, !p0;
	[sflag:s12] =	ssyncset.done @!p1 $0x0  }
0x12: {  	s11 =	smov.u32 s10;
	s10 =	smov.u32 s13;
	[sflag:s12] =	ssyncadd.s32 @!p1 $0xFFFF8000  }
.LBB2_1:
0x13: {  	p1 =	sgt.u32 s9, $0x3  }
0x14: {  	s12 =	sxor.u32 @!p1 $0xFFFFFFFF, s9  }
0x15: {  	s13 =	sshrl.u32 @!p1 s10, $0x3;
	s12 =	sshll.u32 @!p1 s12, $0x8  }
0x16: {  	s14 =	sand.u32 @!p1 $0x7, s10;
	s13 =	sadd.s32 @!p1 s2, s13;
	s12 =	sand.u32 @!p1 $0x100, s12  }
0x17: {  	[tilespmem:s12], [sflag:$0x2] =	stream.linear.gather @!p1 [hbm4b:s13+s14], $0x100, $0x38;
	[tilespmem:$0x10200] =	vst v63  }
0x18: {  	p1 =	seq.s32 s9, $0x0  }
0x19: {  	p2 =	seq.s32 @!p1 s9, $0x5  }
0x1a: {  	p1 =	por p1, p2  }
.Ltmp2:
0x1b: {  	_ = 	snop;
	(pc) =	sbr.rel @p1 .LBB2_7-.Ltmp2, $1  }
0x1c: {  	_ =	sdelay $0x3  }
0x1d: {  	s12 =	simm.s32 $0x1  }
0x1e: {  	_ =	swait.ge [sflag:s5], $0x100;
	s12 =	simm.s32 @!p0 $0x0  }
0x1f: {  	[sflag:s5] =	ssyncset.done $0x0;
	s14 =	sshll.u32 s12, $0x8  }
0x20: {  	[sflag:s5] =	ssyncadd.s32 $0xFFFFFF00;
	s13 =	sadd.s32 $0x0, s14  }
0x21: {  	v0 =	vld.msk [tilespmem:s13+$0x0 ss:$0x1], $0xffff;
	_ =	sdelay $0x4  }
0x22: {  	v1 =	vshll.u32 v0, $0x5  }
0x23: {  	vm2 =	veq.s32 v0, $0x80000000;
	v0 =	vshll.u32 v0, $0x14;
	v1 =	vand.u32 $0xFFF80, v1  }
0x24: {  	v0 =	vand.u32 $0x300000, v0;
	v1 =	vsel vm2, $0xFFFFFF80, v1  }
0x25: {  	v0 =	vsel vm2, $0xFFF00000, v0;
	v2 =	vand.u32 $0xFFFFFC00, v1  }
0x26: {  	v1 =	vand.u32 $0x380, v1;
	v0 =	vadd.s32 v0, v2  }
0x27: {  	v0 =	vor.u32 v1, v0  }
0x28: {  	v0 =	vshrl.u32 v0, $0x3;
	_ =	sdelay $0x2  }
0x29: {  	s12 =	sshll.u32 s12, $0xF  }
0x2a: {  	s12 =	sor.u32 $0x200, s12  }
0x2b: {  	[tilespmem:s12], [sflag:$0x1] =	stream.indirect_vreg.gather [hbm:s3], $0x80, v0, vm0, $0x38;
	[tilespmem:$0x10200] =	vst v63  }
0x2c: {  	s15 =	sadd.s32 $0x10, s14;
	s13 =	sadd.s32 $0x400, s12  }
0x2d: {  	[tilespmem:s13], [sflag:$0x1] =	stream.indirect_vreg.gather [hbm:s3], $0x80, v0, vm1, $0x38;
	[tilespmem:$0x10200] =	vst v63  }
0x2e: {  	s16 =	simm.s32 $0x80;
	v0 =	vld.msk [tilespmem:s15+$0x0 ss:$0x1], $0xffff;
	s15 =	smov.u32 s12  }
.LBB2_3:
0x2f: {  	p1 =	sne.s32 s16, $0x3C0;
	_ =	sdelay $0x4  }
0x30: {  	v1 =	vshll.u32 v0, $0x5  }
0x31: {  	vm2 =	veq.s32 v0, $0x80000000;
	v0 =	vshll.u32 v0, $0x14;
	v1 =	vand.u32 $0xFFF80, v1  }
0x32: {  	v0 =	vand.u32 $0x300000, v0;
	v1 =	vsel vm2, $0xFFFFFF80, v1  }
0x33: {  	v0 =	vsel vm2, $0xFFF00000, v0;
	v2 =	vand.u32 $0xFFFFFC00, v1  }
0x34: {  	v1 =	vand.u32 $0x380, v1;
	v0 =	vadd.s32 v0, v2  }
0x35: {  	v0 =	vor.u32 v1, v0  }
0x36: {  	v0 =	vshrl.u32 v0, $0x3;
	_ =	sdelay $0x3  }
.Ltmp3:
0x37: {  	s17 =	sshra.s32 s16, $0x2;
	s15 =	sadd.s32 $0x800, s15;
	(pc) =	sbr.rel @p1 .LBB2_3-.Ltmp3, $4  }
0x38: {  	[tilespmem:s15], [sflag:$0x1] =	stream.indirect_vreg.gather [hbm:s3], $0x80, v0, vm0, $0x38;
	[tilespmem:$0x10200] =	vst v63  }
0x39: {  	s17 =	sadd.s32 s17, s14;
	s18 =	sadd.s32 $0x400, s15  }
0x3a: {  	[tilespmem:s18], [sflag:$0x1] =	stream.indirect_vreg.gather [hbm:s3], $0x80, v0, vm1, $0x38;
	[tilespmem:$0x10200] =	vst v63  }
0x3b: {  	s16 =	sadd.s32 $0x40, s16;
	v0 =	vld.msk [tilespmem:s17+$0x0 ss:$0x1], $0xffff  }
0x3c: {  	_ =	sdelay $0x3  }
0x3d: {  	v1 =	vshll.u32 v0, $0x5  }
0x3e: {  	vm2 =	veq.s32 v0, $0x80000000;
	v63 =	vshll.u32 v0, $0x14;
	v1 =	vand.u32 $0xFFF80, v1  }
0x3f: {  	v0 =	vand.u32 $0x300000, v63;
	v1 =	vsel vm2, $0xFFFFFF80, v1  }
0x40: {  	v0 =	vsel vm2, $0xFFF00000, v0;
	v2 =	vand.u32 $0xFFFFFC00, v1  }
0x41: {  	v1 =	vand.u32 $0x380, v1;
	v0 =	vadd.s32 v0, v2  }
0x42: {  	v0 =	vor.u32 v1, v0  }
0x43: {  	v0 =	vshrl.u32 v0, $0x3;
	_ =	sdelay $0x3  }
0x44: {  	s14 =	sadd.s32 $0x800, s15  }
0x45: {  	[tilespmem:s14], [sflag:$0x1] =	stream.indirect_vreg.gather [hbm:s3], $0x80, v0, vm0, $0x38;
	[tilespmem:$0x10200] =	vst v63  }
0x46: {  	s14 =	sadd.s32 $0x400, s14  }
0x47: {  	[tilespmem:s14], [sflag:$0x1] =	stream.indirect_vreg.gather [hbm:s3], $0x80, v0, vm1, $0x38;
	[tilespmem:$0x10200] =	vst v63  }
0x48: {  	s11 =	sshll.u32 s11, $0x4;
	_ =	swait.ge [sflag:s4], $0x8000  }
0x49: {  	s11 =	sadd.s32 s11, s7;
	[sflag:s4] =	ssyncset.done $0x0  }
0x4a: {  	s15 =	sadd.s32 $0x0, s11;
	s14 =	simm.s32 $0x80;
	[sflag:s4] =	ssyncadd.s32 $0xFFFF8000  }
.LBB2_5:
0x4b: {  	[hbm:s15] =	stream.linear.scatter [tilespmem:s12], [sflag:$0x3], $0x400, $0x38;
	[tilespmem:$0x10200] =	vst v63  }
0x4c: {  	s15 =	smov.u32 s14;
	s12 =	smov.u32 s13;
	p1 =	sne.s32 s14, $0xF80  }
.Ltmp4:
0x4d: {  	s14 =	sadd.s32 $0x80, s14;
	(pc) =	sbr.rel @p1 .LBB2_5-.Ltmp4, $2  }
0x4e: {  	_ =	sdelay $0x2  }
0x4f: {  	s13 =	sadd.s32 $0x400, s13;
	s15 =	sadd.s32 s15, s11  }
.Ltmp5:
0x50: {  	(pc) =	sbr.rel .LBB2_7-.Ltmp5, $2  }
0x51: {  	_ =	sdelay $0x2  }
0x52: {  	[hbm:s15] =	stream.linear.scatter [tilespmem:s12], [sflag:$0x3], $0x400, $0x38;
	[tilespmem:$0x10200] =	vst v63  }
.LBB2_8:
0x53: {  	_ =	sfence.sel $0x180000  }
0x54: {  	s2 =	simm.s32 $0x2;
	[bflag:$0x0] =	sbarrier.arrive $0xFFFF  }
0x55: {  	s30 =	simm.s32 $0x3;
	[sflag:s2] =	ssyncpa.u1 $0x1  }
0x56: {  	s31 =	simm.s32 $0x1;
	[sflag:s30] =	ssyncpa.u1 $0x1  }
0x57: {  	[sflag:s31] =	ssyncpa.u1 $0x1  }
0x58: {  	p0 =	sne.s32 s1, $0x0;
	_ =	strace $0x90000053  }
0x59: {  	s0 =	sadd.s32 @!p0 $0x100000, s0;
	[bflag:$0x2] =	sbarrier.arrive $0xFFFF  }
0x5a: {  	[sflag:s0] =	ssyncadd.tile.s32 @!p0 $0x1;
	_ =	shalt  }
.Lfunc_end2:
_tile_overlayer_lowered:
.L_overlay_start_2:
0x5b: {  	(tag) =	ssettag $0x2  }
0x5c: {  	s0 =	rddreg [dreg:$0x0];
	s2 =	stileid.u32  }
0x5d: {  	s1 =	rddreg [dreg:$0x1];
	p0 =	sne.s32 s2, $0x0  }
0x5e: {  	s3 =	rddreg [dreg:$0x2];
	[bflag:$0x3] =	sbarrier.arrive $0xFFFF;
	s2 =	simm.s32 @!p0 $0x1C01  }
0x5f: {  	[timem:s3], [sflag:s2] =	dma.local @!p0 [hbm:s0], s1  }
0x60: {  	s0 =	simm.s32 @!p0 $0x1  }
0x61: {  	_ =	swait.ge @!p0 [sflag:s0], s1  }
0x62: {  	s1 =	ssub.s32 @!p0 $0x0, s1;
	[sflag:s0] =	ssyncset.done @!p0 $0x0  }
0x63: {  	[sflag:s0] =	ssyncadd.s32 @!p0 s1  }
0x64: {  	[bflag:$0x3] =	sbarrier.arrive $0xFFFF  }
0x65: {  	_ =	shalt  }

// kernel: sparse-core-data-format-call.cloned.1.call-start
scs
called_computation_lowered:
.L_overlay_start_0:
0x0: {  	s1 =	sld [smem:$0x3FD9]  }
0x1: {  	s2 =	sld [smem:$0x3FFE];
	_ =	sdelay $0x1  }
0x2: {  	s3 =	srdreg.scid  }
0x3: {  	s0 =	sand.u32 $0x1, s3  }
0x4: {  	s17 =	sshll.u32 s0, $0xA;
	s1 =	sadd.s32 s2, s1  }
0x5: {  	s1 =	sadd.s32 s1, s17  }
0x6: {  	[smem:$0x3FBE] =	sst s1  }
0x7: {  	_ = 	snop  }
0x8: {  	(tm) =	ssettm $0x1  }
0x9: {  	s18 =	sld [smem:$0x3FFB];
	_ =	sdelay $0x3  }
0xa: {  	_ =	strace s18  }
0xb: {  	s1 =	sld [smem:$0x3FFC];
	_ =	sdelay $0x3  }
0xc: {  	_ =	strace s1  }
0xd: {  	s1 =	sld [smem:$0x3FFD];
	_ =	sdelay $0x3  }
0xe: {  	_ =	strace s1  }
0xf: {  	_ =	strace $0x8FFFFFFF  }
0x10: {  	s19 =	sld [smem:$0x3FDB];
	_ =	sdelay $0x1  }
0x11: {  	s20 =	simm.s32 $_scs_section_size  }
0x12: {  	s4 =	simm.s32 $_size__tile_overlayer_lowered;
	s5 =	simm.s32 $_tile_overlayer_lowered  }
0x13: {  	s23 =	simm.s32 $0x1BFF;
	s22 =	sshll.u32 s5, $0x1;
	s1 =	sadd.s32 s20, s19  }
0x14: {  	s6 =	simm.s32 $0x0;
	s21 =	sshll.u32 s4, $0x1;
	s4 =	sadd.s32 s22, s1  }
0x15: {  	[timem:s6], [sflag:s23] =	dma.local [hbm:s4], s21  }
0x16: {  	_ =	swait.ge [sflag:s23], s21  }
0x17: {  	s2 =	ssub.s32 $0x0, s21;
	[sflag:s23] =	ssyncset.done $0x0  }
0x18: {  	[sflag:s23] =	ssyncadd.s32 s2;
	_ =	sdelay $0x1  }
0x19: {  	s24 =	simm.s32 $0x1B8B  }
0x1a: {  	_ =	swait.ge [sflag:s24], $0x1  }
0x1b: {  	[sflag:s24] =	ssyncset.done $0x0  }
0x1c: {  	s26 =	simm.s32 $0x1B8E;
	s25 =	sld [smem:$0x3FFE];
	[sflag:s24] =	ssyncadd.s32 $0xFFFFFFFF  }
0x1d: {  	s27 =	simm.s32 $execute0_lowered;
	[smem:$0x3FD2] =	sst s26  }
0x1e: {  	s4 =	sshll.u32 s27, $0x1;
	_ =	strace $0x80000049;
	[dreg:$0x1] =	wrdreg $0xFFFFFFFF  }
0x1f: {  	s28 =	simm.s32 $_size_execute0_lowered;
	s1 =	sadd.s32 s1, s4;
	[dreg:$0x0] =	wrdreg $0x0  }
0x20: {  	s4 =	sshll.u32 s28, $0x1;
	[dreg:$0x2] =	wrdreg s1  }
0x21: {  	[dreg:$0x3] =	wrdreg s4  }
0x22: {  	[dreg:$0x4] =	wrdreg $0xC0  }
0x23: {  	_ =	task [dreg:s6], $0x5FFFF  }
0x24: {  	[dreg:$0x1] =	wrdreg $0xFFFFFFFF  }
0x25: {  	[dreg:$0x0] =	wrdreg $0x60  }
0x26: {  	[dreg:$0x2] =	wrdreg s25  }
0x27: {  	[dreg:$0x3] =	wrdreg $0x9  }
0x28: {  	_ =	task.clear_ibuf [dreg:s6], $0x4FFFF;
	_ =	strace $0x90000049  }
0x29: {  	s29 =	simm.s32 $0x9;
	_ =	strace $0x8000004B  }
0x2a: {  	_ =	swait.ge [sflag:s29], $0x1  }
0x2b: {  	[sflag:s29] =	ssyncadd.s32 $0xFFFFFFFF  }
0x2c: {  	_ =	strace $0x9000004B  }
0x2d: {  	_ =	sfence  }
0x2e: {  	s30 =	sld [smem:$0x0];
	_ =	sdelay $0x2  }
0x2f: {  	s31 =	sshll.u32 s3, $0xD;
	s3 =	sshrl.u32 s3, $0x2  }
0x30: {  	s2 =	sand.u32 $0x4000, s31;
	s1 =	sadd.s32 s3, s30  }
0x31: {  	s0 =	sor.u32 s2, s0;
	s1 =	sshll.u32 s1, $0x11  }
0x32: {  	s0 =	sor.u32 s1, s0  }
0x33: {  	s0 =	sadd.s32 $0x8F2B, s0  }
0x34: {  	[sflag:s0] =	ssyncadd.remote.s32 $0x1  }
0x35: {  	_ =	sfence.sel $0xFFFF  }
0x36: {  	[dreg:$0x0] =	wrdreg $0xFFFFFFFF;
	(pc) =	sbr.abs _section_cstart, $3  }
0x37: {  	[dreg:$0x1] =	wrdreg $0xFFFFFFFF  }
0x38: {  	_ =	task.clear_ibuf [dreg:s6], $0x2FFFF;
	_ =	strace $0x9FFFFFFF  }
0x39: {  	(tm) =	ssettm $0x7FFFFFFF  }
tec
execute0_lowered:
.L_overlay_start_1:
0x0: {  	(tag) =	ssettag $0x1  }
0x1: {  	s1 =	rddreg [dreg:$0x0]  }
0x2: {  	s0 =	rddreg [dreg:$0x1];
	_ =	strace $0x8000004A;
	s4 =	srdreg.scid  }
0x3: {  	s7 =	simm.s32 $0x2;
	s16 =	simm.s32 $0x0;
	p0 =	por $0x0, $0x0  }
0x4: {  	s13 =	simm.s32 $0x0;
	s14 =	simm.s32 $0x0;
	s15 =	simm.s32 $0x0  }
0x5: {  	s9 =	simm.s32 $0x0;
	s10 =	simm.s32 $0x0;
	s2 =	sadd.s32 $0x81000, s1  }
.Ltmp0:
0x6: {  	s3 =	sadd.s32 $0x181000, s1;
	s4 =	sshll.u32 s4, $0x4;
	(pc) =	sbr.rel .LBB1_1-.Ltmp0, $4  }
0x7: {  	s1 =	stileid.u32;
	s5 =	sand.u32 $0x10, s4;
	s4 =	simm.s32 $0x1  }
0x8: {  	s8 =	simm.s32 $0x0;
	s6 =	sor.u32 s1, s5;
	[sflag:s4] =	ssyncpa.u1 $0x0  }
0x9: {  	s5 =	sand.u32 $0x3, s1;
	s6 =	sshrl.u32 s6, $0x2;
	[sflag:s7] =	ssyncpa.u1 $0x0  }
0xa: {  	s7 =	simm.s32 $0x800;
	s12 =	smov.u32 s5;
	s11 =	smov.u32 s6  }
.LBB1_5:
0xb: {  	s17 =	sadd.s32 $0x80, s9  }
0xc: {  	s13 =	sadd.s32 $0x80, s10;
	s18 =	smov.u32 s10;
	p2 =	sgt.s32 s17, $0xFF  }
0xd: {  	s18 =	smov.u32 @p2 s13  }
0xe: {  	s19 =	smov.u32 s11;
	s13 =	sadd.s32 $0x8, s11;
	p3 =	sgt.s32 s18, $0xFF  }
0xf: {  	s19 =	smov.u32 @p3 s13  }
0x10: {  	s20 =	smov.u32 s12;
	s13 =	sadd.s32 $0x4, s12;
	p4 =	sgt.s32 s19, $0x1F  }
0x11: {  	p1 =	slt.u32 s8, $0x2;
	s20 =	smov.u32 @p4 s13  }
0x12: {  	s8 =	sadd.s32 $0x1, s8;
	s17 =	simm.s32 @p2 $0x0;
	p2 =	sgt.s32 s20, $0x3  }
0x13: {  	s16 =	smov.u32 s9;
	s20 =	smov.u32 @p2 s5;
	p2 =	sne.s32 s8, $0x12  }
.Ltmp1:
0x14: {  	s14 =	smov.u32 s11;
	s21 =	simm.s32 @!p1 $0x2;
	(pc) =	sbr.rel @!p2 .LBB1_6-.Ltmp1, $4  }
0x15: {  	s15 =	smov.u32 s12;
	p0 =	por !p0, !p0;
	_ =	swait.ge @!p1 [sflag:s21], $0x4000  }
0x16: {  	[sflag:s21] =	ssyncset.done @!p1 $0x0;
	s9 =	smov.u32 s17;
	s18 =	simm.s32 @p3 $0x0  }
0x17: {  	[sflag:s21] =	ssyncadd.s32 @!p1 $0xFFFFC000;
	s19 =	smov.u32 @p4 s6;
	s13 =	smov.u32 s10  }
0x18: {  	s10 =	smov.u32 s18;
	s11 =	smov.u32 s19;
	s12 =	smov.u32 s20  }
.LBB1_1:
0x19: {  	p1 =	sgt.u32 s8, $0xF  }
0x1a: {  	s17 =	sxor.u32 @!p1 $0xFFFFFFFF, s8;
	s18 =	sand.u32 @!p1 $0x78, s9;
	s19 =	sshll.u32 @!p1 s10, $0x8  }
0x1b: {  	s20 =	sshll.u32 @!p1 s9, $0x3;
	s21 =	sshll.u32 @!p1 s10, $0x7;
	s17 =	sshll.u32 @!p1 s17, $0xE  }
0x1c: {  	s19 =	sand.u32 @!p1 $0xF800, s19;
	s20 =	sand.u32 @!p1 $0xFC00, s20;
	s17 =	sand.u32 @!p1 $0x4000, s17  }
0x1d: {  	s19 =	sadd.s32 @!p1 s19, s20;
	s20 =	sand.u32 @!p1 $0x300, s21;
	s21 =	sand.u32 @!p1 $0x80, s21  }
0x1e: {  	s19 =	sor.u32 @!p1 s20, s19;
	s18 =	sor.u32 @!p1 s18, s21;
	s20 =	sshll.u32 @!p1 s12, $0x12  }
0x1f: {  	s21 =	sshll.u32 @!p1 s11, $0xD;
	s19 =	sshrl.u32 @!p1 s19, $0x3;
	s20 =	sadd.s32 @!p1 s2, s20  }
0x20: {  	s18 =	sshrl.u32 @!p1 s18, $0x3;
	s20 =	sadd.s32 @!p1 s21, s20;
	s21 =	sand.u32 @!p1 $0x7, s9  }
0x21: {  	s19 =	sand.u32 @!p1 $0x1FE0, s19;
	s18 =	sadd.s32 @!p1 s18, s20;
	s20 =	sshll.u32 @!p1 s21, $0x12  }
0x22: {  	s18 =	sadd.s32 @!p1 s19, s18;
	s19 =	sor.u32 @!p1 $0x400, s20;
	s20 =	simm.s32 @!p1 $0x800  }
0x23: {  	[tilespmem:s17], [sflag:$0x1] =	stream.strided.gather @!p1 [hbm4b:s18+s19], $0x4000, s20, s19, $0x38;
	[tilespmem:$0x10100] =	vst v63  }
0x24: {  	p1 =	seq.s32 s8, $0x0  }
0x25: {  	p2 =	seq.s32 @!p1 s8, $0x11  }
0x26: {  	p1 =	por p1, p2  }
.Ltmp2:
0x27: {  	_ = 	snop;
	(pc) =	sbr.rel @p1 .LBB1_5-.Ltmp2, $1  }
0x28: {  	_ =	sdelay $0x3  }
0x29: {  	s17 =	simm.s32 $0x1  }
0x2a: {  	_ =	swait.ge [sflag:s4], $0x4000;
	s17 =	simm.s32 @!p0 $0x0  }
0x2b: {  	[sflag:s4] =	ssyncset.done $0x0;
	s18 =	sshll.u32 s17, $0xE  }
0x2c: {  	[sflag:s4] =	ssyncadd.s32 $0xFFFFC000;
	s19 =	sor.u32 $0x40, s18  }
0x2d: {  	s17 =	smul.u32 $0x10200, s17;
	v0 =	vld [tilespmem:s19+$0x30]  }
0x2e: {  	v3 =	vld [tilespmem:s19+$0xFFFFFFD0]  }
0x2f: {  	s17 =	sshrl.u32 s17, $0x2;
	v4 =	vld [tilespmem:s19+$0xFFFFFFE0]  }
0x30: {  	v5 =	vld [tilespmem:s19+$0xFFFFFFF0];
	s18 =	sor.u32 $0x8000, s17  }
0x31: {  	s31 =	sand.u32 $0x1, s8;
	v1 =	vld [tilespmem:s19+$0x0];
	s20 =	sadd.s32 $0x0, s18  }
0x32: {  	v2 =	vld [tilespmem:s19+$0x10];
	s17 =	smul.u32 $0x10200, s31;
	[tilespmem:s20+$0x3870 ss:$0x81] =	vst.msk $0xffff, v0  }
0x33: {  	[tilespmem:s20+$0x810 ss:$0x81] =	vst.msk $0xffff, v3;
	v3 =	vld [tilespmem:s19+$0x20]  }
0x34: {  	s17 =	sshrl.u32 s17, $0x2;
	v0 =	vld [tilespmem:s19+$0xFFFFFFC0];
	[tilespmem:s20+$0x1020 ss:$0x81] =	vst.msk $0xffff, v4;
	s19 =	sadd.s32 $0x80, s19  }
0x35: {  	s21 =	simm.s32 $0x4;
	s22 =	simm.s32 $0x8;
	s17 =	sor.u32 $0x8000, s17;
	[tilespmem:s20+$0x1830 ss:$0x81] =	vst.msk $0xffff, v5;
	v4 =	vld [tilespmem:s19+$0x30]  }
.LBB1_3:
0x36: {  	p1 =	sne.s32 s22, $0x1FC;
	v5 =	vld [tilespmem:s19+$0xFFFFFFD0];
	[tilespmem:s20+$0x2040 ss:$0x81] =	vst.msk $0xffff, v1  }
0x37: {  	v6 =	vld [tilespmem:s19+$0xFFFFFFE0];
	[tilespmem:s20+$0x2850 ss:$0x81] =	vst.msk $0xffff, v2  }
0x38: {  	s23 =	sshra.s32 s21, $0x2;
	s21 =	smov.u32 s22;
	v7 =	vld [tilespmem:s19+$0xFFFFFFF0];
	[tilespmem:s20+$0x3060 ss:$0x81] =	vst.msk $0xffff, v3  }
.Ltmp3:
0x39: {  	v1 =	vld [tilespmem:s19+$0x0];
	[tilespmem:s20+$0x0 ss:$0x81] =	vst.msk $0xffff, v0;
	s20 =	sadd.s32 s23, s18;
	(pc) =	sbr.rel @p1 .LBB1_3-.Ltmp3, $4  }
0x3a: {  	v2 =	vld [tilespmem:s19+$0x10];
	[tilespmem:s20+$0x3870 ss:$0x81] =	vst.msk $0xffff, v4  }
0x3b: {  	[tilespmem:s20+$0x810 ss:$0x81] =	vst.msk $0xffff, v5;
	v3 =	vld [tilespmem:s19+$0x20]  }
0x3c: {  	v0 =	vld [tilespmem:s19+$0xFFFFFFC0];
	[tilespmem:s20+$0x1020 ss:$0x81] =	vst.msk $0xffff, v6;
	s19 =	sadd.s32 $0x80, s19  }
0x3d: {  	s22 =	sadd.s32 $0x4, s22;
	v4 =	vld [tilespmem:s19+$0x30];
	[tilespmem:s20+$0x1830 ss:$0x81] =	vst.msk $0xffff, v7  }
0x3e: {  	v5 =	vld [tilespmem:s19+$0xFFFFFFD0];
	[tilespmem:s20+$0x2040 ss:$0x81] =	vst.msk $0xffff, v1  }
0x3f: {  	v58 =	vld [tilespmem:s19+$0xFFFFFFE0];
	[tilespmem:s20+$0x2850 ss:$0x81] =	vst.msk $0xffff, v2  }
0x40: {  	s21 =	sshra.s32 s21, $0x2;
	v59 =	vld [tilespmem:s19+$0xFFFFFFF0];
	[tilespmem:s20+$0x3060 ss:$0x81] =	vst.msk $0xffff, v3  }
0x41: {  	v60 =	vld [tilespmem:s19+$0x0];
	s25 =	sand.u32 $0x78, s13;
	s18 =	sadd.s32 s21, s18;
	[tilespmem:s20+$0x0 ss:$0x81] =	vst.msk $0xffff, v0  }
0x42: {  	v61 =	vld [tilespmem:s19+$0x10];
	s26 =	sshll.u32 s16, $0x8;
	s22 =	sshll.u32 s13, $0x3;
	s27 =	sshll.u32 s16, $0x7;
	[tilespmem:s18+$0x3870 ss:$0x81] =	vst.msk $0xffff, v4  }
0x43: {  	v62 =	vld [tilespmem:s19+$0x20];
	s15 =	sshll.u32 s15, $0x12;
	s14 =	sshll.u32 s14, $0xD;
	s30 =	sand.u32 $0x7, s13;
	[tilespmem:s18+$0x810 ss:$0x81] =	vst.msk $0xffff, v5  }
0x44: {  	v63 =	vld [tilespmem:s19+$0xFFFFFFC0];
	s21 =	sand.u32 $0xF800, s26;
	s22 =	sand.u32 $0xFC00, s22;
	s29 =	sand.u32 $0x300, s27;
	[tilespmem:s18+$0x1020 ss:$0x81] =	vst.msk $0xffff, v58  }
0x45: {  	s16 =	sand.u32 $0x80, s27;
	s15 =	sadd.s32 s3, s15;
	s28 =	sadd.s32 s22, s21;
	[tilespmem:s18+$0x1830 ss:$0x81] =	vst.msk $0xffff, v59  }
.Ltmp4:
0x46: {  	s16 =	sor.u32 s25, s16;
	s19 =	sor.u32 s29, s28;
	[tilespmem:s18+$0x2040 ss:$0x81] =	vst.msk $0xffff, v60;
	(pc) =	sbr.rel .LBB1_5-.Ltmp4, $4  }
0x47: {  	s14 =	sadd.s32 s14, s15;
	s16 =	sshrl.u32 s16, $0x3;
	s19 =	sshrl.u32 s19, $0x3;
	[tilespmem:s18+$0x2850 ss:$0x81] =	vst.msk $0xffff, v61  }
0x48: {  	s13 =	sshll.u32 s30, $0x12;
	s14 =	sadd.s32 s16, s14;
	[tilespmem:s18+$0x3060 ss:$0x81] =	vst.msk $0xffff, v62;
	s31 =	sand.u32 $0x1FE0, s19  }
0x49: {  	s13 =	sor.u32 $0x400, s13;
	[tilespmem:s18+$0x0 ss:$0x81] =	vst.msk $0xffff, v63;
	s14 =	sadd.s32 s31, s14  }
0x4a: {  	[hbm4b:s14+s13] =	stream.strided.scatter [tilespmem:s17], [sflag:$0x2], $0x4000, s7, s13, $0x20;
	[tilespmem:$0x10100] =	vst v63  }
.LBB1_6:
0x4b: {  	_ =	sfence.sel $0x180000  }
0x4c: {  	s2 =	simm.s32 $0x1;
	[bflag:$0x0] =	sbarrier.arrive $0xFFFF  }
0x4d: {  	s31 =	simm.s32 $0x2;
	[sflag:s2] =	ssyncpa.u1 $0x1  }
0x4e: {  	[sflag:s31] =	ssyncpa.u1 $0x1  }
0x4f: {  	p0 =	sne.s32 s1, $0x0;
	_ =	strace $0x9000004A  }
0x50: {  	s0 =	sadd.s32 @!p0 $0x100000, s0;
	[bflag:$0x2] =	sbarrier.arrive $0xFFFF  }
0x51: {  	[sflag:s0] =	ssyncadd.tile.s32 @!p0 $0x1;
	_ =	shalt  }
.Lfunc_end1:
_tile_overlayer_lowered:
.L_overlay_start_2:
0x52: {  	(tag) =	ssettag $0x2  }
0x53: {  	s0 =	rddreg [dreg:$0x0];
	s2 =	stileid.u32  }
0x54: {  	s1 =	rddreg [dreg:$0x1];
	p0 =	sne.s32 s2, $0x0  }
0x55: {  	s3 =	rddreg [dreg:$0x2];
	[bflag:$0x3] =	sbarrier.arrive $0xFFFF;
	s2 =	simm.s32 @!p0 $0x1C01  }
0x56: {  	[timem:s3], [sflag:s2] =	dma.local @!p0 [hbm:s0], s1  }
0x57: {  	s0 =	simm.s32 @!p0 $0x1  }
0x58: {  	_ =	swait.ge @!p0 [sflag:s0], s1  }
0x59: {  	s1 =	ssub.s32 @!p0 $0x0, s1;
	[sflag:s0] =	ssyncset.done @!p0 $0x0  }
0x5a: {  	[sflag:s0] =	ssyncadd.s32 @!p0 s1  }
0x5b: {  	[bflag:$0x3] =	sbarrier.arrive $0xFFFF  }
0x5c: {  	_ =	shalt  }

</sc_bundles>
